<compile_context>
chip_gen: v7x
topology: tpu7x:2x2x1
jax: 0.10.2.dev20260603
libtpu: 0.0.44.dev20260713+nightly
codegen_flags: <defaults>
</compile_context>

<pallas_src>
import functools

import jax
import jax.numpy as jnp
from jax import lax
from jax.experimental import pallas as pl
from jax.experimental.pallas import tpu as pltpu
from jax.experimental.pallas import tpu_sc as plsc

N = 10000
D = 128
E = 320000

NC = 2
NS = 16
HC = D // NC
CHUNK = 128
NCHUNK = 160
E_PAD = NS * NCHUNK * CHUNK
N_PAD = 10240
ROWS_PER_TILE = N_PAD // NS
BR = 512
GRID = N_PAD // BR


def _sc_segment_sum(with_deg):
    mesh = plsc.VectorSubcoreMesh(core_axis_name="c", subcore_axis_name="s")

    out_type = [jax.ShapeDtypeStruct((NC, N_PAD, HC), jnp.float32)]
    scratch = [
        pltpu.VMEM((NCHUNK, CHUNK), jnp.int32),
        pltpu.VMEM((NCHUNK, CHUNK), jnp.int32),
        pltpu.VMEM((CHUNK, HC), jnp.float32),
        pltpu.VMEM((CHUNK, HC), jnp.float32),
        pltpu.VMEM((CHUNK, HC), jnp.float32),
        pltpu.VMEM((CHUNK, HC), jnp.float32),
        pltpu.VMEM_SHARED((N_PAD, HC), jnp.float32),
    ] + [pltpu.SemaphoreType.DMA] * 8
    if with_deg:
        out_type.append(jax.ShapeDtypeStruct((NC, NS, N_PAD), jnp.float32))
        scratch.append(pltpu.VMEM((N_PAD,), jnp.float32))

    @functools.partial(
        pl.kernel, out_type=out_type, mesh=mesh, scratch_types=scratch,
        compiler_params=pltpu.CompilerParams(
            needs_layout_passes=False, use_tc_tiling_on_sc=False))
    def seg(table_hbm, srcs_hbm, dsts_hbm, zeros_hbm, out_hbm, *rest):
        if with_deg:
            deg_hbm = rest[0]
            rest = rest[1:]
        src_v, dst_v = rest[0], rest[1]
        bufs = rest[2:6]
        acc = rest[6]
        gsems = rest[7:11]
        ssems = rest[11:15]
        if with_deg:
            deg_v = rest[15]
        c = lax.axis_index("c")
        s = lax.axis_index("s")
        r0 = s * ROWS_PER_TILE

        pltpu.sync_copy(srcs_hbm.at[pl.ds((c * NS + s) * NCHUNK, NCHUNK)], src_v)
        pltpu.sync_copy(dsts_hbm.at[pl.ds(s * NCHUNK, NCHUNK)], dst_v)
        pltpu.sync_copy(zeros_hbm.at[pl.ds(r0, ROWS_PER_TILE)],
                        acc.at[pl.ds(r0, ROWS_PER_TILE)])
        if with_deg:
            def zbody(i, carry):
                deg_v[pl.ds(i * 16, 16)] = jnp.zeros((16,), jnp.float32)
                return carry
            lax.fori_loop(0, N_PAD // 16, zbody, 0)
        plsc.subcore_barrier()

        ones16 = jnp.ones((16,), jnp.float32)

        def chunk_deg(j):
            if with_deg:
                @pl.when((j < NCHUNK // 2) == (c == 0))
                def _():
                    for v in range(CHUNK // 16):
                        idx16 = dst_v[j, pl.ds(v * 16, 16)]
                        plsc.addupdate_scatter(deg_v, [idx16], ones16)

        def fire_gather(j, b):
            pltpu.async_copy(table_hbm.at[src_v.at[j]], bufs[b], gsems[b])

        def wait_gather(j, b):
            pltpu.make_async_copy(table_hbm.at[src_v.at[j]], bufs[b], gsems[b]).wait()

        def fire_scatter(j, b):
            pltpu.async_copy(bufs[b], acc.at[dst_v.at[j]], ssems[b], add=True)

        def wait_scatter(j, b):
            pltpu.make_async_copy(bufs[b], acc.at[dst_v.at[j]], ssems[b]).wait()

        NBUF, LAG = 4, 2
        for b in range(LAG):
            fire_gather(b, b)
        for j in range(LAG):
            fire_gather(j + LAG, j + LAG)
            wait_gather(j, j)
            fire_scatter(j, j)
            chunk_deg(j)

        def steady(g, carry):
            j0 = LAG + g * NBUF
            for k in range(NBUF):
                j = j0 + k
                b = (LAG + k) % NBUF
                bn = k
                wait_scatter(j - LAG, bn)
                fire_gather(j + LAG, bn)
                wait_gather(j, b)
                fire_scatter(j, b)
                chunk_deg(j)
            return carry

        lax.fori_loop(0, (NCHUNK - 2 * LAG) // NBUF, steady, 0)

        for k in range(LAG):
            j = NCHUNK - LAG + k
            b = (LAG + k) % NBUF
            wait_gather(j, b)
            fire_scatter(j, b)
            chunk_deg(j)
        for b in range(NBUF):
            wait_scatter(NCHUNK - NBUF + b, b)

        if with_deg:
            pltpu.sync_copy(deg_v, deg_hbm.at[c, s])
        plsc.subcore_barrier()
        pltpu.sync_copy(acc.at[pl.ds(r0, ROWS_PER_TILE)],
                        out_hbm.at[c, pl.ds(r0, ROWS_PER_TILE)])

    return seg



def _tc1_body(x_ref, wl_ref, wr_ref, t1_ref, xr_ref):
    x = x_ref[...]
    xw = lax.dot_general(x, wl_ref[...], (((1,), (1,)), ((), ())))
    t1_ref[0] = xw[:, :HC]
    t1_ref[1] = xw[:, HC:]
    xr_ref[...] = lax.dot_general(x, wr_ref[...], (((1,), (1,)), ((), ())))


def _rdeg(dp):
    dpt = jnp.transpose(dp)
    deg = jnp.maximum(jnp.sum(dpt, axis=1, keepdims=True), 1.0)
    return 1.0 / deg


def _tc2_body(p_ref, dp_ref, xr1_ref, bl1_ref, bl2_ref, wl2_ref, wr2_ref,
              t2_ref, xr2b_ref):
    s = jnp.concatenate([p_ref[0], p_ref[1]], axis=1)
    h = jnp.maximum(s * _rdeg(dp_ref[...]) + bl1_ref[...] + xr1_ref[...], 0.0)
    t2 = lax.dot_general(h, wl2_ref[...], (((1,), (1,)), ((), ())))
    t2_ref[0] = t2[:, :HC]
    t2_ref[1] = t2[:, HC:]
    xr2b_ref[...] = lax.dot_general(h, wr2_ref[...], (((1,), (1,)), ((), ()))) + bl2_ref[...]


def _tc3_body(q_ref, dp_ref, xr2b_ref, out_ref):
    s = jnp.concatenate([q_ref[0], q_ref[1]], axis=1)
    out_ref[...] = s * _rdeg(dp_ref[...]) + xr2b_ref[...]


def _row_spec(cols):
    return pl.BlockSpec((BR, cols), lambda i: (i, 0))


def _full_spec(r, c):
    return pl.BlockSpec((r, c), lambda i: (0, 0))


def _part_spec():
    return pl.BlockSpec((NC, BR, HC), lambda i: (0, i, 0))


@jax.jit
def kernel(x, edge_index, Wl1, bl1, Wr1, Wl2, bl2, Wr2):
    src = edge_index[0]
    dst = edge_index[1]
    pad = E_PAD - E
    src_p = jnp.concatenate([src, jnp.zeros((pad,), jnp.int32)]).reshape(NS, NCHUNK, CHUNK)
    src_r = jnp.stack([src_p, src_p + N_PAD]).reshape(NC * NS * NCHUNK, CHUNK)
    dst_r = jnp.concatenate([dst, jnp.full((pad,), N, jnp.int32)]).reshape(
        NS * NCHUNK, CHUNK)
    zeros_acc = jnp.zeros((N_PAD, HC), jnp.float32)
    x_pad = jnp.pad(x, ((0, N_PAD - N), (0, 0)))

    t1, xr1 = pl.pallas_call(
        _tc1_body,
        grid=(GRID,),
        in_specs=[_row_spec(D), _full_spec(D, D), _full_spec(D, D)],
        out_specs=[_part_spec(), _row_spec(D)],
        out_shape=[jax.ShapeDtypeStruct((NC, N_PAD, HC), jnp.float32),
                   jax.ShapeDtypeStruct((N_PAD, D), jnp.float32)],
    )(x_pad, Wl1, Wr1)

    part1, degpart = _sc_segment_sum(True)(
        t1.reshape(NC * N_PAD, HC), src_r, dst_r, zeros_acc)

    dp = degpart.reshape(NC * NS, N_PAD)
    dp_spec = pl.BlockSpec((NC * NS, BR), lambda i: (0, i))

    t2, xr2b = pl.pallas_call(
        _tc2_body,
        grid=(GRID,),
        in_specs=[_part_spec(), dp_spec,
                  _row_spec(D), _full_spec(1, D), _full_spec(1, D),
                  _full_spec(D, D), _full_spec(D, D)],
        out_specs=[_part_spec(), _row_spec(D)],
        out_shape=[jax.ShapeDtypeStruct((NC, N_PAD, HC), jnp.float32),
                   jax.ShapeDtypeStruct((N_PAD, D), jnp.float32)],
    )(part1, dp, xr1, bl1.reshape(1, D), bl2.reshape(1, D), Wl2, Wr2)

    (part2,) = _sc_segment_sum(False)(
        t2.reshape(NC * N_PAD, HC), src_r, dst_r, zeros_acc)

    out = pl.pallas_call(
        _tc3_body,
        grid=(GRID,),
        in_specs=[_part_spec(), dp_spec, _row_spec(D)],
        out_specs=_row_spec(D),
        out_shape=jax.ShapeDtypeStruct((N_PAD, D), jnp.float32),
    )(part2, dp, xr2b)
    return out[:N]

# --- scband reference (transcript-rebuilt; emitter-appended) ---
"""Pipeline reference for scband-gnnretriever-22857815949345 (READ-ONLY COPY).

The authoritative reference and input builder live on the scoring server;
editing this copy changes nothing except your own understanding.
"""

import jax, jax.numpy as jnp
import numpy as np

N = 10000
E = 320000
D = 128
H = 128
O = 128


def setup_inputs(seed: int = 0) -> dict:
    key = jax.random.key(seed)
    ks = jax.random.split(key, 10)
    x = jax.random.normal(ks[0], (N, D), dtype=jnp.float32)
    edge_index = jax.random.randint(ks[1], (2, E), 0, N, dtype=jnp.int32)
    # SAGEConv layer 1 params (lin_l acts on aggregated neighbors, lin_r on root)
    Wl1 = jax.random.normal(ks[2], (H, D), dtype=jnp.float32) * (1.0 / np.sqrt(D))
    bl1 = jnp.zeros((H,), dtype=jnp.float32)
    Wr1 = jax.random.normal(ks[3], (H, D), dtype=jnp.float32) * (1.0 / np.sqrt(D))
    # SAGEConv layer 2 params
    Wl2 = jax.random.normal(ks[4], (O, H), dtype=jnp.float32) * (1.0 / np.sqrt(H))
    bl2 = jnp.zeros((O,), dtype=jnp.float32)
    Wr2 = jax.random.normal(ks[5], (O, H), dtype=jnp.float32) * (1.0 / np.sqrt(H))
    return {"x": x, "edge_index": edge_index, "Wl1": Wl1, "bl1": bl1, "Wr1": Wr1, "Wl2": Wl2, "bl2": bl2, "Wr2": Wr2}


def _sage_conv(x, edge_index, Wl, bl, Wr, num_nodes):
    src = edge_index[0]
    dst = edge_index[1]
    msgs = jnp.take(x, src, axis=0)  # gather source features, [E, d]
    agg = jax.ops.segment_sum(msgs, dst, num_segments=num_nodes)
    deg = jax.ops.segment_sum(jnp.ones((msgs.shape[0], 1), dtype=x.dtype), dst, num_segments=num_nodes)
    mean = agg / jnp.clip(deg, 1.0)
    # PyG SAGEConv: out = lin_l(mean_agg) + lin_r(x_root); bias lives in lin_l
    return mean @ Wl.T + bl + x @ Wr.T


def reference(x, edge_index, Wl1, bl1, Wr1, Wl2, bl2, Wr2):
    # Layer 1: SAGEConv(in->hidden) + ReLU (dropout is identity in eval mode)
    h = _sage_conv(x, edge_index, Wl1, bl1, Wr1, N)
    h = jax.nn.relu(h)
    # Layer 2: SAGEConv(hidden->out), no activation (last layer)
    out = _sage_conv(h, edge_index, Wl2, bl2, Wr2, N)
    # batch is None -> no global_mean_pool
    return out

if __name__ == "__main__":
    import jax
    _d = setup_inputs()
    print(jax.jit(kernel)(*tuple(_d.values())))

</pallas_src>

<mosaic_0001>
#map = affine_map<(d0, d1) -> (0, 0)>
#map1 = affine_map<(d0, d1) -> (0, 0, 0)>
module attributes {stable_mosaic.version = 14 : i64} {
  func.func @seg(%arg0: i32, %arg1: i32, %arg2: memref<20480x64xf32, #tpu.memory_space<hbm>>, %arg3: memref<5120x128xi32, #tpu.memory_space<hbm>>, %arg4: memref<2560x128xi32, #tpu.memory_space<hbm>>, %arg5: memref<10240x64xf32, #tpu.memory_space<hbm>>, %arg6: memref<2x10240x64xf32, #tpu.memory_space<hbm>>, %arg7: memref<2x16x10240xf32, #tpu.memory_space<hbm>>, %arg8: memref<160x128xi32, #tpu.memory_space<vmem>>, %arg9: memref<160x128xi32, #tpu.memory_space<vmem>>, %arg10: memref<128x64xf32, #tpu.memory_space<vmem>>, %arg11: memref<128x64xf32, #tpu.memory_space<vmem>>, %arg12: memref<128x64xf32, #tpu.memory_space<vmem>>, %arg13: memref<128x64xf32, #tpu.memory_space<vmem>>, %arg14: memref<10240x64xf32, #tpu.memory_space<vmem_shared>>, %arg15: memref<!tpu.dma_semaphore, #tpu.memory_space<semaphore_mem>>, %arg16: memref<!tpu.dma_semaphore, #tpu.memory_space<semaphore_mem>>, %arg17: memref<!tpu.dma_semaphore, #tpu.memory_space<semaphore_mem>>, %arg18: memref<!tpu.dma_semaphore, #tpu.memory_space<semaphore_mem>>, %arg19: memref<!tpu.dma_semaphore, #tpu.memory_space<semaphore_mem>>, %arg20: memref<!tpu.dma_semaphore, #tpu.memory_space<semaphore_mem>>, %arg21: memref<!tpu.dma_semaphore, #tpu.memory_space<semaphore_mem>>, %arg22: memref<!tpu.dma_semaphore, #tpu.memory_space<semaphore_mem>>, %arg23: memref<10240xf32, #tpu.memory_space<vmem>>) attributes {dimension_semantics = [#tpu.dimension_semantics<core_parallel>, #tpu.dimension_semantics<subcore_parallel>], iteration_bounds = array<i64: 2, 16>, scalar_prefetch = 0 : i64, scratch_operands = 16 : i64, tpu.core_type = #tpu.core_type<sc_vector_subcore>, window_params = [{transform_indices = #map}, {transform_indices = #map}, {transform_indices = #map}, {transform_indices = #map}, {transform_indices = #map1}, {transform_indices = #map1}]} {
    %mul3A = arith.constant 640 : i32
    %mul3A_0 = arith.muli %arg1, %mul3A : i32
    %mul3A_1 = arith.constant 16 : i32
    %mul3A_2 = arith.muli %arg0, %mul3A_1 : i32
    %add3A = arith.addi %mul3A_2, %arg1 : i32
    %mul3A_3 = arith.constant 160 : i32
    %mul3A_4 = arith.muli %add3A, %mul3A_3 : i32
    "tpu.region"() ({
      %run_scoped3A = tpu.sem_alloc : memref<!tpu.dma_semaphore, #tpu.memory_space<semaphore_mem>>
      %dma_start3A_163 = arith.constant 0 : i32
      %dma_start3A_164 = tpu.memref_slice %arg3[%mul3A_4, %dma_start3A_163] : memref<5120x128xi32, #tpu.memory_space<hbm>> -> memref<160x128xi32, #tpu.memory_space<hbm>>
      %dma_start3A_165 = arith.constant 0 : i32
      %dma_start3A_166 = tpu.memref_slice %arg3[%mul3A_4, %dma_start3A_165] : memref<5120x128xi32, #tpu.memory_space<hbm>> -> memref<160x128xi32, #tpu.memory_space<hbm>>
      tpu.enqueue_dma source(%dma_start3A_166 : memref<160x128xi32, #tpu.memory_space<hbm>>) target(%arg8 : memref<160x128xi32, #tpu.memory_space<vmem>>) target_semaphore(%run_scoped3A : memref<!tpu.dma_semaphore, #tpu.memory_space<semaphore_mem>>)
      %dma_wait3A_167 = arith.constant 0 : i32
      %dma_wait3A_168 = tpu.memref_slice %arg3[%mul3A_4, %dma_wait3A_167] : memref<5120x128xi32, #tpu.memory_space<hbm>> -> memref<160x128xi32, #tpu.memory_space<hbm>>
      %dma_wait3A_169 = arith.constant 0 : i32
      %dma_wait3A_170 = tpu.memref_slice %arg3[%mul3A_4, %dma_wait3A_169] : memref<5120x128xi32, #tpu.memory_space<hbm>> -> memref<160x128xi32, #tpu.memory_space<hbm>>
      tpu.wait_dma2 semaphore(%run_scoped3A : memref<!tpu.dma_semaphore, #tpu.memory_space<semaphore_mem>>) src(%dma_wait3A_170 : memref<160x128xi32, #tpu.memory_space<hbm>>) dst(%arg8 : memref<160x128xi32, #tpu.memory_space<vmem>>)
      tpu.yield
    }) : () -> ()
    %mul3A_5 = arith.constant 160 : i32
    %mul3A_6 = arith.muli %arg1, %mul3A_5 : i32
    "tpu.region"() ({
      %run_scoped3A = tpu.sem_alloc : memref<!tpu.dma_semaphore, #tpu.memory_space<semaphore_mem>>
      %dma_start3A_163 = arith.constant 0 : i32
      %dma_start3A_164 = tpu.memref_slice %arg4[%mul3A_6, %dma_start3A_163] : memref<2560x128xi32, #tpu.memory_space<hbm>> -> memref<160x128xi32, #tpu.memory_space<hbm>>
      %dma_start3A_165 = arith.constant 0 : i32
      %dma_start3A_166 = tpu.memref_slice %arg4[%mul3A_6, %dma_start3A_165] : memref<2560x128xi32, #tpu.memory_space<hbm>> -> memref<160x128xi32, #tpu.memory_space<hbm>>
      tpu.enqueue_dma source(%dma_start3A_166 : memref<160x128xi32, #tpu.memory_space<hbm>>) target(%arg9 : memref<160x128xi32, #tpu.memory_space<vmem>>) target_semaphore(%run_scoped3A : memref<!tpu.dma_semaphore, #tpu.memory_space<semaphore_mem>>)
      %dma_wait3A_167 = arith.constant 0 : i32
      %dma_wait3A_168 = tpu.memref_slice %arg4[%mul3A_6, %dma_wait3A_167] : memref<2560x128xi32, #tpu.memory_space<hbm>> -> memref<160x128xi32, #tpu.memory_space<hbm>>
      %dma_wait3A_169 = arith.constant 0 : i32
      %dma_wait3A_170 = tpu.memref_slice %arg4[%mul3A_6, %dma_wait3A_169] : memref<2560x128xi32, #tpu.memory_space<hbm>> -> memref<160x128xi32, #tpu.memory_space<hbm>>
      tpu.wait_dma2 semaphore(%run_scoped3A : memref<!tpu.dma_semaphore, #tpu.memory_space<semaphore_mem>>) src(%dma_wait3A_170 : memref<160x128xi32, #tpu.memory_space<hbm>>) dst(%arg9 : memref<160x128xi32, #tpu.memory_space<vmem>>)
      tpu.yield
    }) : () -> ()
    "tpu.region"() ({
      %run_scoped3A = tpu.sem_alloc : memref<!tpu.dma_semaphore, #tpu.memory_space<semaphore_mem>>
      %dma_start3A_163 = arith.constant 0 : i32
      %dma_start3A_164 = tpu.memref_slice %arg14[%mul3A_0, %dma_start3A_163] : memref<10240x64xf32, #tpu.memory_space<vmem_shared>> -> memref<640x64xf32, #tpu.memory_space<vmem_shared>>
      %dma_start3A_165 = arith.constant 0 : i32
      %dma_start3A_166 = tpu.memref_slice %arg5[%mul3A_0, %dma_start3A_165] : memref<10240x64xf32, #tpu.memory_space<hbm>> -> memref<640x64xf32, #tpu.memory_space<hbm>>
      tpu.enqueue_dma source(%dma_start3A_166 : memref<640x64xf32, #tpu.memory_space<hbm>>) target(%dma_start3A_164 : memref<640x64xf32, #tpu.memory_space<vmem_shared>>) target_semaphore(%run_scoped3A : memref<!tpu.dma_semaphore, #tpu.memory_space<semaphore_mem>>)
      %dma_wait3A_167 = arith.constant 0 : i32
      %dma_wait3A_168 = tpu.memref_slice %arg14[%mul3A_0, %dma_wait3A_167] : memref<10240x64xf32, #tpu.memory_space<vmem_shared>> -> memref<640x64xf32, #tpu.memory_space<vmem_shared>>
      %dma_wait3A_169 = arith.constant 0 : i32
      %dma_wait3A_170 = tpu.memref_slice %arg5[%mul3A_0, %dma_wait3A_169] : memref<10240x64xf32, #tpu.memory_space<hbm>> -> memref<640x64xf32, #tpu.memory_space<hbm>>
      tpu.wait_dma2 semaphore(%run_scoped3A : memref<!tpu.dma_semaphore, #tpu.memory_space<semaphore_mem>>) src(%dma_wait3A_170 : memref<640x64xf32, #tpu.memory_space<hbm>>) dst(%dma_wait3A_168 : memref<640x64xf32, #tpu.memory_space<vmem_shared>>)
      tpu.yield
    }) : () -> ()
    %scan3A = arith.constant 0 : i32
    %scan3A_7 = arith.constant 0 : i32
    %scan3A_8 = arith.constant 640 : i32
    %scan3A_9 = arith.addi %scan3A_7, %scan3A_8 : i32
    %scan3A_10 = arith.constant 1 : i32
    scf.for %scan3A_163 = %scan3A_7 to %scan3A_9 step %scan3A_10  : i32 {
      %broadcast_in_dim3A_164 = arith.constant 0.000000e+00 : f32
      %broadcast_in_dim3A_165 = vector.broadcast %broadcast_in_dim3A_164 : f32 to vector<16xf32>
      %mul3A_166 = arith.constant 16 : i32
      %mul3A_167 = arith.muli %scan3A_163, %mul3A_166 : i32
      %swap3A = arith.index_cast %mul3A_167 : i32 to index
      %swap3A_168 = tpu.vector_load %arg23[%swap3A] {strides = array<i32>} : memref<10240xf32, #tpu.memory_space<vmem>>, vector<16xf32>,
      tpu.vector_store %arg23[%swap3A], %broadcast_in_dim3A_165 {strides = array<i32>} : memref<10240xf32, #tpu.memory_space<vmem>>, vector<16xf32>,
    }
    %scan3A_11 = arith.constant 640 : i32
    %barrier3A = arith.constant 0 : index
    tpu.barrier barrier_id(%barrier3A)
    %broadcast_in_dim3A = arith.constant 1.000000e+00 : f32
    %broadcast_in_dim3A_12 = vector.broadcast %broadcast_in_dim3A : f32 to vector<16xf32>
    %dma_start3A = arith.constant 0 : i32
    %dma_start3A_13 = arith.constant 0 : i32
    %dma_start3A_14 = tpu.memref_slice %arg8[%dma_start3A, %dma_start3A_13] : memref<160x128xi32, #tpu.memory_space<vmem>> -> memref<1x128xi32, #tpu.memory_space<vmem>>
    %dma_start3A_15 = tpu.memref_squeeze %dma_start3A_14 : memref<1x128xi32, #tpu.memory_space<vmem>> -> memref<128xi32, #tpu.memory_space<vmem>>
    %dma_start3A_16 = arith.constant 0 : i32
    %dma_start3A_17 = arith.constant 0 : i32
    %dma_start3A_18 = tpu.memref_slice %arg2[%dma_start3A_16, %dma_start3A_17] : memref<20480x64xf32, #tpu.memory_space<hbm>> -> memref<20480x64xf32, #tpu.memory_space<hbm>>
    tpu.enqueue_indirect_dma source(%dma_start3A_18 : memref<20480x64xf32, #tpu.memory_space<hbm>>) target(%arg10 : memref<128x64xf32, #tpu.memory_space<vmem>>) offsets(%dma_start3A_15 : memref<128xi32, #tpu.memory_space<vmem>>) semaphore(%arg15 : memref<!tpu.dma_semaphore, #tpu.memory_space<semaphore_mem>>)
    %dma_start3A_19 = arith.constant 1 : i32
    %dma_start3A_20 = arith.constant 0 : i32
    %dma_start3A_21 = tpu.memref_slice %arg8[%dma_start3A_19, %dma_start3A_20] : memref<160x128xi32, #tpu.memory_space<vmem>> -> memref<1x128xi32, #tpu.memory_space<vmem>>
    %dma_start3A_22 = tpu.memref_squeeze %dma_start3A_21 : memref<1x128xi32, #tpu.memory_space<vmem>> -> memref<128xi32, #tpu.memory_space<vmem>>
    %dma_start3A_23 = arith.constant 0 : i32
    %dma_start3A_24 = arith.constant 0 : i32
    %dma_start3A_25 = tpu.memref_slice %arg2[%dma_start3A_23, %dma_start3A_24] : memref<20480x64xf32, #tpu.memory_space<hbm>> -> memref<20480x64xf32, #tpu.memory_space<hbm>>
    tpu.enqueue_indirect_dma source(%dma_start3A_25 : memref<20480x64xf32, #tpu.memory_space<hbm>>) target(%arg11 : memref<128x64xf32, #tpu.memory_space<vmem>>) offsets(%dma_start3A_22 : memref<128xi32, #tpu.memory_space<vmem>>) semaphore(%arg16 : memref<!tpu.dma_semaphore, #tpu.memory_space<semaphore_mem>>)
    %dma_start3A_26 = arith.constant 2 : i32
    %dma_start3A_27 = arith.constant 0 : i32
    %dma_start3A_28 = tpu.memref_slice %arg8[%dma_start3A_26, %dma_start3A_27] : memref<160x128xi32, #tpu.memory_space<vmem>> -> memref<1x128xi32, #tpu.memory_space<vmem>>
    %dma_start3A_29 = tpu.memref_squeeze %dma_start3A_28 : memref<1x128xi32, #tpu.memory_space<vmem>> -> memref<128xi32, #tpu.memory_space<vmem>>
    %dma_start3A_30 = arith.constant 0 : i32
    %dma_start3A_31 = arith.constant 0 : i32
    %dma_start3A_32 = tpu.memref_slice %arg2[%dma_start3A_30, %dma_start3A_31] : memref<20480x64xf32, #tpu.memory_space<hbm>> -> memref<20480x64xf32, #tpu.memory_space<hbm>>
    tpu.enqueue_indirect_dma source(%dma_start3A_32 : memref<20480x64xf32, #tpu.memory_space<hbm>>) target(%arg12 : memref<128x64xf32, #tpu.memory_space<vmem>>) offsets(%dma_start3A_29 : memref<128xi32, #tpu.memory_space<vmem>>) semaphore(%arg17 : memref<!tpu.dma_semaphore, #tpu.memory_space<semaphore_mem>>)
    %dma_wait3A = arith.constant 0 : i32
    %dma_wait3A_33 = arith.constant 0 : i32
    %dma_wait3A_34 = tpu.memref_slice %arg8[%dma_wait3A, %dma_wait3A_33] : memref<160x128xi32, #tpu.memory_space<vmem>> -> memref<1x128xi32, #tpu.memory_space<vmem>>
    %dma_wait3A_35 = tpu.memref_squeeze %dma_wait3A_34 : memref<1x128xi32, #tpu.memory_space<vmem>> -> memref<128xi32, #tpu.memory_space<vmem>>
    %dma_wait3A_36 = arith.constant 0 : i32
    %dma_wait3A_37 = arith.constant 0 : i32
    %dma_wait3A_38 = tpu.memref_slice %arg2[%dma_wait3A_36, %dma_wait3A_37] : memref<20480x64xf32, #tpu.memory_space<hbm>> -> memref<20480x64xf32, #tpu.memory_space<hbm>>
    tpu.wait_indirect_dma semaphore(%arg15 : memref<!tpu.dma_semaphore, #tpu.memory_space<semaphore_mem>>) src(%dma_wait3A_38 : memref<20480x64xf32, #tpu.memory_space<hbm>>) dst(%arg10 : memref<128x64xf32, #tpu.memory_space<vmem>>)
    %dma_start3A_39 = arith.constant 0 : i32
    %dma_start3A_40 = arith.constant 0 : i32
    %dma_start3A_41 = tpu.memref_slice %arg9[%dma_start3A_39, %dma_start3A_40] : memref<160x128xi32, #tpu.memory_space<vmem>> -> memref<1x128xi32, #tpu.memory_space<vmem>>
    %dma_start3A_42 = tpu.memref_squeeze %dma_start3A_41 : memref<1x128xi32, #tpu.memory_space<vmem>> -> memref<128xi32, #tpu.memory_space<vmem>>
    %dma_start3A_43 = arith.constant 0 : i32
    %dma_start3A_44 = arith.constant 0 : i32
    %dma_start3A_45 = tpu.memref_slice %arg14[%dma_start3A_43, %dma_start3A_44] : memref<10240x64xf32, #tpu.memory_space<vmem_shared>> -> memref<10240x64xf32, #tpu.memory_space<vmem_shared>>
    tpu.enqueue_indirect_dma source(%arg10 : memref<128x64xf32, #tpu.memory_space<vmem>>) target(%dma_start3A_45 : memref<10240x64xf32, #tpu.memory_space<vmem_shared>>) offsets(%dma_start3A_42 : memref<128xi32, #tpu.memory_space<vmem>>) semaphore(%arg19 : memref<!tpu.dma_semaphore, #tpu.memory_space<semaphore_mem>>) {add = true}
    %eq3A = arith.constant 0 : i32
    %eq3A_46 = arith.cmpi eq, %arg0, %eq3A : i32
    %eq3A_47 = arith.constant true
    %eq3A_48 = arith.xori %eq3A_46, %eq3A_47 : i1
    %eq3A_49 = arith.constant true
    %eq3A_50 = arith.xori %eq3A_48, %eq3A_49 : i1
    %convert_element_type3A = arith.extui %eq3A_50 : i1 to i32
    %cond3A = arith.constant 0 : i32
    %cond3A_51 = arith.cmpi ne, %convert_element_type3A, %cond3A : i32
    scf.if %cond3A_51 {
      %get3A = arith.constant 0 : i32
      %get3A_163 = arith.index_cast %get3A : i32 to index
      %get3A_164 = arith.constant 0 : index
      %get3A_165 = tpu.vector_load %arg9[%get3A_163, %get3A_164] {strides = array<i32>} : memref<160x128xi32, #tpu.memory_space<vmem>>, vector<16xi32>,
      tpu.vector_store_idx %arg23[%get3A_165], %broadcast_in_dim3A_12 {add = true} : memref<10240xf32, #tpu.memory_space<vmem>>[vector<16xi32>], vector<16xf32>,
      %get3A_166 = arith.constant 0 : i32
      %get3A_167 = arith.index_cast %get3A_166 : i32 to index
      %get3A_168 = arith.constant 16 : index
      %get3A_169 = tpu.vector_load %arg9[%get3A_167, %get3A_168] {strides = array<i32>} : memref<160x128xi32, #tpu.memory_space<vmem>>, vector<16xi32>,
      tpu.vector_store_idx %arg23[%get3A_169], %broadcast_in_dim3A_12 {add = true} : memref<10240xf32, #tpu.memory_space<vmem>>[vector<16xi32>], vector<16xf32>,
      %get3A_170 = arith.constant 0 : i32
      %get3A_171 = arith.index_cast %get3A_170 : i32 to index
      %get3A_172 = arith.constant 32 : index
      %get3A_173 = tpu.vector_load %arg9[%get3A_171, %get3A_172] {strides = array<i32>} : memref<160x128xi32, #tpu.memory_space<vmem>>, vector<16xi32>,
      tpu.vector_store_idx %arg23[%get3A_173], %broadcast_in_dim3A_12 {add = true} : memref<10240xf32, #tpu.memory_space<vmem>>[vector<16xi32>], vector<16xf32>,
      %get3A_174 = arith.constant 0 : i32
      %get3A_175 = arith.index_cast %get3A_174 : i32 to index
      %get3A_176 = arith.constant 48 : index
      %get3A_177 = tpu.vector_load %arg9[%get3A_175, %get3A_176] {strides = array<i32>} : memref<160x128xi32, #tpu.memory_space<vmem>>, vector<16xi32>,
      tpu.vector_store_idx %arg23[%get3A_177], %broadcast_in_dim3A_12 {add = true} : memref<10240xf32, #tpu.memory_space<vmem>>[vector<16xi32>], vector<16xf32>,
      %get3A_178 = arith.constant 0 : i32
      %get3A_179 = arith.index_cast %get3A_178 : i32 to index
      %get3A_180 = arith.constant 64 : index
      %get3A_181 = tpu.vector_load %arg9[%get3A_179, %get3A_180] {strides = array<i32>} : memref<160x128xi32, #tpu.memory_space<vmem>>, vector<16xi32>,
      tpu.vector_store_idx %arg23[%get3A_181], %broadcast_in_dim3A_12 {add = true} : memref<10240xf32, #tpu.memory_space<vmem>>[vector<16xi32>], vector<16xf32>,
      %get3A_182 = arith.constant 0 : i32
      %get3A_183 = arith.index_cast %get3A_182 : i32 to index
      %get3A_184 = arith.constant 80 : index
      %get3A_185 = tpu.vector_load %arg9[%get3A_183, %get3A_184] {strides = array<i32>} : memref<160x128xi32, #tpu.memory_space<vmem>>, vector<16xi32>,
      tpu.vector_store_idx %arg23[%get3A_185], %broadcast_in_dim3A_12 {add = true} : memref<10240xf32, #tpu.memory_space<vmem>>[vector<16xi32>], vector<16xf32>,
      %get3A_186 = arith.constant 0 : i32
      %get3A_187 = arith.index_cast %get3A_186 : i32 to index
      %get3A_188 = arith.constant 96 : index
      %get3A_189 = tpu.vector_load %arg9[%get3A_187, %get3A_188] {strides = array<i32>} : memref<160x128xi32, #tpu.memory_space<vmem>>, vector<16xi32>,
      tpu.vector_store_idx %arg23[%get3A_189], %broadcast_in_dim3A_12 {add = true} : memref<10240xf32, #tpu.memory_space<vmem>>[vector<16xi32>], vector<16xf32>,
      %get3A_190 = arith.constant 0 : i32
      %get3A_191 = arith.index_cast %get3A_190 : i32 to index
      %get3A_192 = arith.constant 112 : index
      %get3A_193 = tpu.vector_load %arg9[%get3A_191, %get3A_192] {strides = array<i32>} : memref<160x128xi32, #tpu.memory_space<vmem>>, vector<16xi32>,
      tpu.vector_store_idx %arg23[%get3A_193], %broadcast_in_dim3A_12 {add = true} : memref<10240xf32, #tpu.memory_space<vmem>>[vector<16xi32>], vector<16xf32>,
    } else {
    }
    %dma_start3A_52 = arith.constant 3 : i32
    %dma_start3A_53 = arith.constant 0 : i32
    %dma_start3A_54 = tpu.memref_slice %arg8[%dma_start3A_52, %dma_start3A_53] : memref<160x128xi32, #tpu.memory_space<vmem>> -> memref<1x128xi32, #tpu.memory_space<vmem>>
    %dma_start3A_55 = tpu.memref_squeeze %dma_start3A_54 : memref<1x128xi32, #tpu.memory_space<vmem>> -> memref<128xi32, #tpu.memory_space<vmem>>
    %dma_start3A_56 = arith.constant 0 : i32
    %dma_start3A_57 = arith.constant 0 : i32
    %dma_start3A_58 = tpu.memref_slice %arg2[%dma_start3A_56, %dma_start3A_57] : memref<20480x64xf32, #tpu.memory_space<hbm>> -> memref<20480x64xf32, #tpu.memory_space<hbm>>
    tpu.enqueue_indirect_dma source(%dma_start3A_58 : memref<20480x64xf32, #tpu.memory_space<hbm>>) target(%arg13 : memref<128x64xf32, #tpu.memory_space<vmem>>) offsets(%dma_start3A_55 : memref<128xi32, #tpu.memory_space<vmem>>) semaphore(%arg18 : memref<!tpu.dma_semaphore, #tpu.memory_space<semaphore_mem>>)
    %dma_wait3A_59 = arith.constant 1 : i32
    %dma_wait3A_60 = arith.constant 0 : i32
    %dma_wait3A_61 = tpu.memref_slice %arg8[%dma_wait3A_59, %dma_wait3A_60] : memref<160x128xi32, #tpu.memory_space<vmem>> -> memref<1x128xi32, #tpu.memory_space<vmem>>
    %dma_wait3A_62 = tpu.memref_squeeze %dma_wait3A_61 : memref<1x128xi32, #tpu.memory_space<vmem>> -> memref<128xi32, #tpu.memory_space<vmem>>
    %dma_wait3A_63 = arith.constant 0 : i32
    %dma_wait3A_64 = arith.constant 0 : i32
    %dma_wait3A_65 = tpu.memref_slice %arg2[%dma_wait3A_63, %dma_wait3A_64] : memref<20480x64xf32, #tpu.memory_space<hbm>> -> memref<20480x64xf32, #tpu.memory_space<hbm>>
    tpu.wait_indirect_dma semaphore(%arg16 : memref<!tpu.dma_semaphore, #tpu.memory_space<semaphore_mem>>) src(%dma_wait3A_65 : memref<20480x64xf32, #tpu.memory_space<hbm>>) dst(%arg11 : memref<128x64xf32, #tpu.memory_space<vmem>>)
    %dma_start3A_66 = arith.constant 1 : i32
    %dma_start3A_67 = arith.constant 0 : i32
    %dma_start3A_68 = tpu.memref_slice %arg9[%dma_start3A_66, %dma_start3A_67] : memref<160x128xi32, #tpu.memory_space<vmem>> -> memref<1x128xi32, #tpu.memory_space<vmem>>
    %dma_start3A_69 = tpu.memref_squeeze %dma_start3A_68 : memref<1x128xi32, #tpu.memory_space<vmem>> -> memref<128xi32, #tpu.memory_space<vmem>>
    %dma_start3A_70 = arith.constant 0 : i32
    %dma_start3A_71 = arith.constant 0 : i32
    %dma_start3A_72 = tpu.memref_slice %arg14[%dma_start3A_70, %dma_start3A_71] : memref<10240x64xf32, #tpu.memory_space<vmem_shared>> -> memref<10240x64xf32, #tpu.memory_space<vmem_shared>>
    tpu.enqueue_indirect_dma source(%arg11 : memref<128x64xf32, #tpu.memory_space<vmem>>) target(%dma_start3A_72 : memref<10240x64xf32, #tpu.memory_space<vmem_shared>>) offsets(%dma_start3A_69 : memref<128xi32, #tpu.memory_space<vmem>>) semaphore(%arg20 : memref<!tpu.dma_semaphore, #tpu.memory_space<semaphore_mem>>) {add = true}
    %eq3A_73 = arith.constant 0 : i32
    %eq3A_74 = arith.cmpi eq, %arg0, %eq3A_73 : i32
    %eq3A_75 = arith.constant true
    %eq3A_76 = arith.xori %eq3A_74, %eq3A_75 : i1
    %eq3A_77 = arith.constant true
    %eq3A_78 = arith.xori %eq3A_76, %eq3A_77 : i1
    %convert_element_type3A_79 = arith.extui %eq3A_78 : i1 to i32
    %cond3A_80 = arith.constant 0 : i32
    %cond3A_81 = arith.cmpi ne, %convert_element_type3A_79, %cond3A_80 : i32
    scf.if %cond3A_81 {
      %get3A = arith.constant 1 : i32
      %get3A_163 = arith.index_cast %get3A : i32 to index
      %get3A_164 = arith.constant 0 : index
      %get3A_165 = tpu.vector_load %arg9[%get3A_163, %get3A_164] {strides = array<i32>} : memref<160x128xi32, #tpu.memory_space<vmem>>, vector<16xi32>,
      tpu.vector_store_idx %arg23[%get3A_165], %broadcast_in_dim3A_12 {add = true} : memref<10240xf32, #tpu.memory_space<vmem>>[vector<16xi32>], vector<16xf32>,
      %get3A_166 = arith.constant 1 : i32
      %get3A_167 = arith.index_cast %get3A_166 : i32 to index
      %get3A_168 = arith.constant 16 : index
      %get3A_169 = tpu.vector_load %arg9[%get3A_167, %get3A_168] {strides = array<i32>} : memref<160x128xi32, #tpu.memory_space<vmem>>, vector<16xi32>,
      tpu.vector_store_idx %arg23[%get3A_169], %broadcast_in_dim3A_12 {add = true} : memref<10240xf32, #tpu.memory_space<vmem>>[vector<16xi32>], vector<16xf32>,
      %get3A_170 = arith.constant 1 : i32
      %get3A_171 = arith.index_cast %get3A_170 : i32 to index
      %get3A_172 = arith.constant 32 : index
      %get3A_173 = tpu.vector_load %arg9[%get3A_171, %get3A_172] {strides = array<i32>} : memref<160x128xi32, #tpu.memory_space<vmem>>, vector<16xi32>,
      tpu.vector_store_idx %arg23[%get3A_173], %broadcast_in_dim3A_12 {add = true} : memref<10240xf32, #tpu.memory_space<vmem>>[vector<16xi32>], vector<16xf32>,
      %get3A_174 = arith.constant 1 : i32
      %get3A_175 = arith.index_cast %get3A_174 : i32 to index
      %get3A_176 = arith.constant 48 : index
      %get3A_177 = tpu.vector_load %arg9[%get3A_175, %get3A_176] {strides = array<i32>} : memref<160x128xi32, #tpu.memory_space<vmem>>, vector<16xi32>,
      tpu.vector_store_idx %arg23[%get3A_177], %broadcast_in_dim3A_12 {add = true} : memref<10240xf32, #tpu.memory_space<vmem>>[vector<16xi32>], vector<16xf32>,
      %get3A_178 = arith.constant 1 : i32
      %get3A_179 = arith.index_cast %get3A_178 : i32 to index
      %get3A_180 = arith.constant 64 : index
      %get3A_181 = tpu.vector_load %arg9[%get3A_179, %get3A_180] {strides = array<i32>} : memref<160x128xi32, #tpu.memory_space<vmem>>, vector<16xi32>,
      tpu.vector_store_idx %arg23[%get3A_181], %broadcast_in_dim3A_12 {add = true} : memref<10240xf32, #tpu.memory_space<vmem>>[vector<16xi32>], vector<16xf32>,
      %get3A_182 = arith.constant 1 : i32
      %get3A_183 = arith.index_cast %get3A_182 : i32 to index
      %get3A_184 = arith.constant 80 : index
      %get3A_185 = tpu.vector_load %arg9[%get3A_183, %get3A_184] {strides = array<i32>} : memref<160x128xi32, #tpu.memory_space<vmem>>, vector<16xi32>,
      tpu.vector_store_idx %arg23[%get3A_185], %broadcast_in_dim3A_12 {add = true} : memref<10240xf32, #tpu.memory_space<vmem>>[vector<16xi32>], vector<16xf32>,
      %get3A_186 = arith.constant 1 : i32
      %get3A_187 = arith.index_cast %get3A_186 : i32 to index
      %get3A_188 = arith.constant 96 : index
      %get3A_189 = tpu.vector_load %arg9[%get3A_187, %get3A_188] {strides = array<i32>} : memref<160x128xi32, #tpu.memory_space<vmem>>, vector<16xi32>,
      tpu.vector_store_idx %arg23[%get3A_189], %broadcast_in_dim3A_12 {add = true} : memref<10240xf32, #tpu.memory_space<vmem>>[vector<16xi32>], vector<16xf32>,
      %get3A_190 = arith.constant 1 : i32
      %get3A_191 = arith.index_cast %get3A_190 : i32 to index
      %get3A_192 = arith.constant 112 : index
      %get3A_193 = tpu.vector_load %arg9[%get3A_191, %get3A_192] {strides = array<i32>} : memref<160x128xi32, #tpu.memory_space<vmem>>, vector<16xi32>,
      tpu.vector_store_idx %arg23[%get3A_193], %broadcast_in_dim3A_12 {add = true} : memref<10240xf32, #tpu.memory_space<vmem>>[vector<16xi32>], vector<16xf32>,
    } else {
    }
    %scan3A_82 = arith.constant 0 : i32
    %scan3A_83 = arith.constant 0 : i32
    %scan3A_84 = arith.constant 39 : i32
    %scan3A_85 = arith.addi %scan3A_83, %scan3A_84 : i32
    %scan3A_86 = arith.constant 1 : i32
    scf.for %scan3A_163 = %scan3A_83 to %scan3A_85 step %scan3A_86  : i32 {
      %mul3A_164 = arith.constant 4 : i32
      %mul3A_165 = arith.muli %scan3A_163, %mul3A_164 : i32
      %add3A_166 = arith.constant 2 : i32
      %add3A_167 = arith.addi %add3A_166, %mul3A_165 : i32
      %add3A_168 = arith.constant 0 : i32
      %add3A_169 = arith.addi %add3A_167, %add3A_168 : i32
      %sub3A = arith.constant 2 : i32
      %sub3A_170 = arith.subi %add3A_169, %sub3A : i32
      %dma_wait3A_171 = arith.constant 0 : i32
      %dma_wait3A_172 = tpu.memref_slice %arg9[%sub3A_170, %dma_wait3A_171] : memref<160x128xi32, #tpu.memory_space<vmem>> -> memref<1x128xi32, #tpu.memory_space<vmem>>
      %dma_wait3A_173 = tpu.memref_squeeze %dma_wait3A_172 : memref<1x128xi32, #tpu.memory_space<vmem>> -> memref<128xi32, #tpu.memory_space<vmem>>
      %dma_wait3A_174 = arith.constant 0 : i32
      %dma_wait3A_175 = arith.constant 0 : i32
      %dma_wait3A_176 = tpu.memref_slice %arg14[%dma_wait3A_174, %dma_wait3A_175] : memref<10240x64xf32, #tpu.memory_space<vmem_shared>> -> memref<10240x64xf32, #tpu.memory_space<vmem_shared>>
      tpu.wait_indirect_dma semaphore(%arg19 : memref<!tpu.dma_semaphore, #tpu.memory_space<semaphore_mem>>) src(%arg10 : memref<128x64xf32, #tpu.memory_space<vmem>>) dst(%dma_wait3A_176 : memref<10240x64xf32, #tpu.memory_space<vmem_shared>>)
      %add3A_177 = arith.constant 2 : i32
      %add3A_178 = arith.addi %add3A_169, %add3A_177 : i32
      %dma_start3A_179 = arith.constant 0 : i32
      %dma_start3A_180 = tpu.memref_slice %arg8[%add3A_178, %dma_start3A_179] : memref<160x128xi32, #tpu.memory_space<vmem>> -> memref<1x128xi32, #tpu.memory_space<vmem>>
      %dma_start3A_181 = tpu.memref_squeeze %dma_start3A_180 : memref<1x128xi32, #tpu.memory_space<vmem>> -> memref<128xi32, #tpu.memory_space<vmem>>
      %dma_start3A_182 = arith.constant 0 : i32
      %dma_start3A_183 = arith.constant 0 : i32
      %dma_start3A_184 = tpu.memref_slice %arg2[%dma_start3A_182, %dma_start3A_183] : memref<20480x64xf32, #tpu.memory_space<hbm>> -> memref<20480x64xf32, #tpu.memory_space<hbm>>
      tpu.enqueue_indirect_dma source(%dma_start3A_184 : memref<20480x64xf32, #tpu.memory_space<hbm>>) target(%arg10 : memref<128x64xf32, #tpu.memory_space<vmem>>) offsets(%dma_start3A_181 : memref<128xi32, #tpu.memory_space<vmem>>) semaphore(%arg15 : memref<!tpu.dma_semaphore, #tpu.memory_space<semaphore_mem>>)
      %dma_wait3A_185 = arith.constant 0 : i32
      %dma_wait3A_186 = tpu.memref_slice %arg8[%add3A_169, %dma_wait3A_185] : memref<160x128xi32, #tpu.memory_space<vmem>> -> memref<1x128xi32, #tpu.memory_space<vmem>>
      %dma_wait3A_187 = tpu.memref_squeeze %dma_wait3A_186 : memref<1x128xi32, #tpu.memory_space<vmem>> -> memref<128xi32, #tpu.memory_space<vmem>>
      %dma_wait3A_188 = arith.constant 0 : i32
      %dma_wait3A_189 = arith.constant 0 : i32
      %dma_wait3A_190 = tpu.memref_slice %arg2[%dma_wait3A_188, %dma_wait3A_189] : memref<20480x64xf32, #tpu.memory_space<hbm>> -> memref<20480x64xf32, #tpu.memory_space<hbm>>
      tpu.wait_indirect_dma semaphore(%arg17 : memref<!tpu.dma_semaphore, #tpu.memory_space<semaphore_mem>>) src(%dma_wait3A_190 : memref<20480x64xf32, #tpu.memory_space<hbm>>) dst(%arg12 : memref<128x64xf32, #tpu.memory_space<vmem>>)
      %dma_start3A_191 = arith.constant 0 : i32
      %dma_start3A_192 = tpu.memref_slice %arg9[%add3A_169, %dma_start3A_191] : memref<160x128xi32, #tpu.memory_space<vmem>> -> memref<1x128xi32, #tpu.memory_space<vmem>>
      %dma_start3A_193 = tpu.memref_squeeze %dma_start3A_192 : memref<1x128xi32, #tpu.memory_space<vmem>> -> memref<128xi32, #tpu.memory_space<vmem>>
      %dma_start3A_194 = arith.constant 0 : i32
      %dma_start3A_195 = arith.constant 0 : i32
      %dma_start3A_196 = tpu.memref_slice %arg14[%dma_start3A_194, %dma_start3A_195] : memref<10240x64xf32, #tpu.memory_space<vmem_shared>> -> memref<10240x64xf32, #tpu.memory_space<vmem_shared>>
      tpu.enqueue_indirect_dma source(%arg12 : memref<128x64xf32, #tpu.memory_space<vmem>>) target(%dma_start3A_196 : memref<10240x64xf32, #tpu.memory_space<vmem_shared>>) offsets(%dma_start3A_193 : memref<128xi32, #tpu.memory_space<vmem>>) semaphore(%arg21 : memref<!tpu.dma_semaphore, #tpu.memory_space<semaphore_mem>>) {add = true}
      %lt3A = arith.constant 80 : i32
      %lt3A_197 = arith.cmpi slt, %add3A_169, %lt3A : i32
      %eq3A_198 = arith.constant 0 : i32
      %eq3A_199 = arith.cmpi eq, %arg0, %eq3A_198 : i32
      %eq3A_200 = arith.xori %lt3A_197, %eq3A_199 : i1
      %eq3A_201 = arith.constant true
      %eq3A_202 = arith.xori %eq3A_200, %eq3A_201 : i1
      %convert_element_type3A_203 = arith.extui %eq3A_202 : i1 to i32
      %cond3A_204 = arith.constant 0 : i32
      %cond3A_205 = arith.cmpi ne, %convert_element_type3A_203, %cond3A_204 : i32
      scf.if %cond3A_205 {
        %get3A = arith.index_cast %add3A_169 : i32 to index
        %get3A_326 = arith.constant 0 : index
        %get3A_327 = tpu.vector_load %arg9[%get3A, %get3A_326] {strides = array<i32>} : memref<160x128xi32, #tpu.memory_space<vmem>>, vector<16xi32>,
        tpu.vector_store_idx %arg23[%get3A_327], %broadcast_in_dim3A_12 {add = true} : memref<10240xf32, #tpu.memory_space<vmem>>[vector<16xi32>], vector<16xf32>,
        %get3A_328 = arith.index_cast %add3A_169 : i32 to index
        %get3A_329 = arith.constant 16 : index
        %get3A_330 = tpu.vector_load %arg9[%get3A_328, %get3A_329] {strides = array<i32>} : memref<160x128xi32, #tpu.memory_space<vmem>>, vector<16xi32>,
        tpu.vector_store_idx %arg23[%get3A_330], %broadcast_in_dim3A_12 {add = true} : memref<10240xf32, #tpu.memory_space<vmem>>[vector<16xi32>], vector<16xf32>,
        %get3A_331 = arith.index_cast %add3A_169 : i32 to index
        %get3A_332 = arith.constant 32 : index
        %get3A_333 = tpu.vector_load %arg9[%get3A_331, %get3A_332] {strides = array<i32>} : memref<160x128xi32, #tpu.memory_space<vmem>>, vector<16xi32>,
        tpu.vector_store_idx %arg23[%get3A_333], %broadcast_in_dim3A_12 {add = true} : memref<10240xf32, #tpu.memory_space<vmem>>[vector<16xi32>], vector<16xf32>,
        %get3A_334 = arith.index_cast %add3A_169 : i32 to index
        %get3A_335 = arith.constant 48 : index
        %get3A_336 = tpu.vector_load %arg9[%get3A_334, %get3A_335] {strides = array<i32>} : memref<160x128xi32, #tpu.memory_space<vmem>>, vector<16xi32>,
        tpu.vector_store_idx %arg23[%get3A_336], %broadcast_in_dim3A_12 {add = true} : memref<10240xf32, #tpu.memory_space<vmem>>[vector<16xi32>], vector<16xf32>,
        %get3A_337 = arith.index_cast %add3A_169 : i32 to index
        %get3A_338 = arith.constant 64 : index
        %get3A_339 = tpu.vector_load %arg9[%get3A_337, %get3A_338] {strides = array<i32>} : memref<160x128xi32, #tpu.memory_space<vmem>>, vector<16xi32>,
        tpu.vector_store_idx %arg23[%get3A_339], %broadcast_in_dim3A_12 {add = true} : memref<10240xf32, #tpu.memory_space<vmem>>[vector<16xi32>], vector<16xf32>,
        %get3A_340 = arith.index_cast %add3A_169 : i32 to index
        %get3A_341 = arith.constant 80 : index
        %get3A_342 = tpu.vector_load %arg9[%get3A_340, %get3A_341] {strides = array<i32>} : memref<160x128xi32, #tpu.memory_space<vmem>>, vector<16xi32>,
        tpu.vector_store_idx %arg23[%get3A_342], %broadcast_in_dim3A_12 {add = true} : memref<10240xf32, #tpu.memory_space<vmem>>[vector<16xi32>], vector<16xf32>,
        %get3A_343 = arith.index_cast %add3A_169 : i32 to index
        %get3A_344 = arith.constant 96 : index
        %get3A_345 = tpu.vector_load %arg9[%get3A_343, %get3A_344] {strides = array<i32>} : memref<160x128xi32, #tpu.memory_space<vmem>>, vector<16xi32>,
        tpu.vector_store_idx %arg23[%get3A_345], %broadcast_in_dim3A_12 {add = true} : memref<10240xf32, #tpu.memory_space<vmem>>[vector<16xi32>], vector<16xf32>,
        %get3A_346 = arith.index_cast %add3A_169 : i32 to index
        %get3A_347 = arith.constant 112 : index
        %get3A_348 = tpu.vector_load %arg9[%get3A_346, %get3A_347] {strides = array<i32>} : memref<160x128xi32, #tpu.memory_space<vmem>>, vector<16xi32>,
        tpu.vector_store_idx %arg23[%get3A_348], %broadcast_in_dim3A_12 {add = true} : memref<10240xf32, #tpu.memory_space<vmem>>[vector<16xi32>], vector<16xf32>,
      } else {
      }
      %add3A_206 = arith.constant 1 : i32
      %add3A_207 = arith.addi %add3A_167, %add3A_206 : i32
      %sub3A_208 = arith.constant 2 : i32
      %sub3A_209 = arith.subi %add3A_207, %sub3A_208 : i32
      %dma_wait3A_210 = arith.constant 0 : i32
      %dma_wait3A_211 = tpu.memref_slice %arg9[%sub3A_209, %dma_wait3A_210] : memref<160x128xi32, #tpu.memory_space<vmem>> -> memref<1x128xi32, #tpu.memory_space<vmem>>
      %dma_wait3A_212 = tpu.memref_squeeze %dma_wait3A_211 : memref<1x128xi32, #tpu.memory_space<vmem>> -> memref<128xi32, #tpu.memory_space<vmem>>
      %dma_wait3A_213 = arith.constant 0 : i32
      %dma_wait3A_214 = arith.constant 0 : i32
      %dma_wait3A_215 = tpu.memref_slice %arg14[%dma_wait3A_213, %dma_wait3A_214] : memref<10240x64xf32, #tpu.memory_space<vmem_shared>> -> memref<10240x64xf32, #tpu.memory_space<vmem_shared>>
      tpu.wait_indirect_dma semaphore(%arg20 : memref<!tpu.dma_semaphore, #tpu.memory_space<semaphore_mem>>) src(%arg11 : memref<128x64xf32, #tpu.memory_space<vmem>>) dst(%dma_wait3A_215 : memref<10240x64xf32, #tpu.memory_space<vmem_shared>>)
      %add3A_216 = arith.constant 2 : i32
      %add3A_217 = arith.addi %add3A_207, %add3A_216 : i32
      %dma_start3A_218 = arith.constant 0 : i32
      %dma_start3A_219 = tpu.memref_slice %arg8[%add3A_217, %dma_start3A_218] : memref<160x128xi32, #tpu.memory_space<vmem>> -> memref<1x128xi32, #tpu.memory_space<vmem>>
      %dma_start3A_220 = tpu.memref_squeeze %dma_start3A_219 : memref<1x128xi32, #tpu.memory_space<vmem>> -> memref<128xi32, #tpu.memory_space<vmem>>
      %dma_start3A_221 = arith.constant 0 : i32
      %dma_start3A_222 = arith.constant 0 : i32
      %dma_start3A_223 = tpu.memref_slice %arg2[%dma_start3A_221, %dma_start3A_222] : memref<20480x64xf32, #tpu.memory_space<hbm>> -> memref<20480x64xf32, #tpu.memory_space<hbm>>
      tpu.enqueue_indirect_dma source(%dma_start3A_223 : memref<20480x64xf32, #tpu.memory_space<hbm>>) target(%arg11 : memref<128x64xf32, #tpu.memory_space<vmem>>) offsets(%dma_start3A_220 : memref<128xi32, #tpu.memory_space<vmem>>) semaphore(%arg16 : memref<!tpu.dma_semaphore, #tpu.memory_space<semaphore_mem>>)
      %dma_wait3A_224 = arith.constant 0 : i32
      %dma_wait3A_225 = tpu.memref_slice %arg8[%add3A_207, %dma_wait3A_224] : memref<160x128xi32, #tpu.memory_space<vmem>> -> memref<1x128xi32, #tpu.memory_space<vmem>>
      %dma_wait3A_226 = tpu.memref_squeeze %dma_wait3A_225 : memref<1x128xi32, #tpu.memory_space<vmem>> -> memref<128xi32, #tpu.memory_space<vmem>>
      %dma_wait3A_227 = arith.constant 0 : i32
      %dma_wait3A_228 = arith.constant 0 : i32
      %dma_wait3A_229 = tpu.memref_slice %arg2[%dma_wait3A_227, %dma_wait3A_228] : memref<20480x64xf32, #tpu.memory_space<hbm>> -> memref<20480x64xf32, #tpu.memory_space<hbm>>
      tpu.wait_indirect_dma semaphore(%arg18 : memref<!tpu.dma_semaphore, #tpu.memory_space<semaphore_mem>>) src(%dma_wait3A_229 : memref<20480x64xf32, #tpu.memory_space<hbm>>) dst(%arg13 : memref<128x64xf32, #tpu.memory_space<vmem>>)
      %dma_start3A_230 = arith.constant 0 : i32
      %dma_start3A_231 = tpu.memref_slice %arg9[%add3A_207, %dma_start3A_230] : memref<160x128xi32, #tpu.memory_space<vmem>> -> memref<1x128xi32, #tpu.memory_space<vmem>>
      %dma_start3A_232 = tpu.memref_squeeze %dma_start3A_231 : memref<1x128xi32, #tpu.memory_space<vmem>> -> memref<128xi32, #tpu.memory_space<vmem>>
      %dma_start3A_233 = arith.constant 0 : i32
      %dma_start3A_234 = arith.constant 0 : i32
      %dma_start3A_235 = tpu.memref_slice %arg14[%dma_start3A_233, %dma_start3A_234] : memref<10240x64xf32, #tpu.memory_space<vmem_shared>> -> memref<10240x64xf32, #tpu.memory_space<vmem_shared>>
      tpu.enqueue_indirect_dma source(%arg13 : memref<128x64xf32, #tpu.memory_space<vmem>>) target(%dma_start3A_235 : memref<10240x64xf32, #tpu.memory_space<vmem_shared>>) offsets(%dma_start3A_232 : memref<128xi32, #tpu.memory_space<vmem>>) semaphore(%arg22 : memref<!tpu.dma_semaphore, #tpu.memory_space<semaphore_mem>>) {add = true}
      %lt3A_236 = arith.constant 80 : i32
      %lt3A_237 = arith.cmpi slt, %add3A_207, %lt3A_236 : i32
      %eq3A_238 = arith.constant 0 : i32
      %eq3A_239 = arith.cmpi eq, %arg0, %eq3A_238 : i32
      %eq3A_240 = arith.xori %lt3A_237, %eq3A_239 : i1
      %eq3A_241 = arith.constant true
      %eq3A_242 = arith.xori %eq3A_240, %eq3A_241 : i1
      %convert_element_type3A_243 = arith.extui %eq3A_242 : i1 to i32
      %cond3A_244 = arith.constant 0 : i32
      %cond3A_245 = arith.cmpi ne, %convert_element_type3A_243, %cond3A_244 : i32
      scf.if %cond3A_245 {
        %get3A = arith.index_cast %add3A_207 : i32 to index
        %get3A_326 = arith.constant 0 : index
        %get3A_327 = tpu.vector_load %arg9[%get3A, %get3A_326] {strides = array<i32>} : memref<160x128xi32, #tpu.memory_space<vmem>>, vector<16xi32>,
        tpu.vector_store_idx %arg23[%get3A_327], %broadcast_in_dim3A_12 {add = true} : memref<10240xf32, #tpu.memory_space<vmem>>[vector<16xi32>], vector<16xf32>,
        %get3A_328 = arith.index_cast %add3A_207 : i32 to index
        %get3A_329 = arith.constant 16 : index
        %get3A_330 = tpu.vector_load %arg9[%get3A_328, %get3A_329] {strides = array<i32>} : memref<160x128xi32, #tpu.memory_space<vmem>>, vector<16xi32>,
        tpu.vector_store_idx %arg23[%get3A_330], %broadcast_in_dim3A_12 {add = true} : memref<10240xf32, #tpu.memory_space<vmem>>[vector<16xi32>], vector<16xf32>,
        %get3A_331 = arith.index_cast %add3A_207 : i32 to index
        %get3A_332 = arith.constant 32 : index
        %get3A_333 = tpu.vector_load %arg9[%get3A_331, %get3A_332] {strides = array<i32>} : memref<160x128xi32, #tpu.memory_space<vmem>>, vector<16xi32>,
        tpu.vector_store_idx %arg23[%get3A_333], %broadcast_in_dim3A_12 {add = true} : memref<10240xf32, #tpu.memory_space<vmem>>[vector<16xi32>], vector<16xf32>,
        %get3A_334 = arith.index_cast %add3A_207 : i32 to index
        %get3A_335 = arith.constant 48 : index
        %get3A_336 = tpu.vector_load %arg9[%get3A_334, %get3A_335] {strides = array<i32>} : memref<160x128xi32, #tpu.memory_space<vmem>>, vector<16xi32>,
        tpu.vector_store_idx %arg23[%get3A_336], %broadcast_in_dim3A_12 {add = true} : memref<10240xf32, #tpu.memory_space<vmem>>[vector<16xi32>], vector<16xf32>,
        %get3A_337 = arith.index_cast %add3A_207 : i32 to index
        %get3A_338 = arith.constant 64 : index
        %get3A_339 = tpu.vector_load %arg9[%get3A_337, %get3A_338] {strides = array<i32>} : memref<160x128xi32, #tpu.memory_space<vmem>>, vector<16xi32>,
        tpu.vector_store_idx %arg23[%get3A_339], %broadcast_in_dim3A_12 {add = true} : memref<10240xf32, #tpu.memory_space<vmem>>[vector<16xi32>], vector<16xf32>,
        %get3A_340 = arith.index_cast %add3A_207 : i32 to index
        %get3A_341 = arith.constant 80 : index
        %get3A_342 = tpu.vector_load %arg9[%get3A_340, %get3A_341] {strides = array<i32>} : memref<160x128xi32, #tpu.memory_space<vmem>>, vector<16xi32>,
        tpu.vector_store_idx %arg23[%get3A_342], %broadcast_in_dim3A_12 {add = true} : memref<10240xf32, #tpu.memory_space<vmem>>[vector<16xi32>], vector<16xf32>,
        %get3A_343 = arith.index_cast %add3A_207 : i32 to index
        %get3A_344 = arith.constant 96 : index
        %get3A_345 = tpu.vector_load %arg9[%get3A_343, %get3A_344] {strides = array<i32>} : memref<160x128xi32, #tpu.memory_space<vmem>>, vector<16xi32>,
        tpu.vector_store_idx %arg23[%get3A_345], %broadcast_in_dim3A_12 {add = true} : memref<10240xf32, #tpu.memory_space<vmem>>[vector<16xi32>], vector<16xf32>,
        %get3A_346 = arith.index_cast %add3A_207 : i32 to index
        %get3A_347 = arith.constant 112 : index
        %get3A_348 = tpu.vector_load %arg9[%get3A_346, %get3A_347] {strides = array<i32>} : memref<160x128xi32, #tpu.memory_space<vmem>>, vector<16xi32>,
        tpu.vector_store_idx %arg23[%get3A_348], %broadcast_in_dim3A_12 {add = true} : memref<10240xf32, #tpu.memory_space<vmem>>[vector<16xi32>], vector<16xf32>,
      } else {
      }
      %add3A_246 = arith.constant 2 : i32
      %add3A_247 = arith.addi %add3A_167, %add3A_246 : i32
      %sub3A_248 = arith.constant 2 : i32
      %sub3A_249 = arith.subi %add3A_247, %sub3A_248 : i32
      %dma_wait3A_250 = arith.constant 0 : i32
      %dma_wait3A_251 = tpu.memref_slice %arg9[%sub3A_249, %dma_wait3A_250] : memref<160x128xi32, #tpu.memory_space<vmem>> -> memref<1x128xi32, #tpu.memory_space<vmem>>
      %dma_wait3A_252 = tpu.memref_squeeze %dma_wait3A_251 : memref<1x128xi32, #tpu.memory_space<vmem>> -> memref<128xi32, #tpu.memory_space<vmem>>
      %dma_wait3A_253 = arith.constant 0 : i32
      %dma_wait3A_254 = arith.constant 0 : i32
      %dma_wait3A_255 = tpu.memref_slice %arg14[%dma_wait3A_253, %dma_wait3A_254] : memref<10240x64xf32, #tpu.memory_space<vmem_shared>> -> memref<10240x64xf32, #tpu.memory_space<vmem_shared>>
      tpu.wait_indirect_dma semaphore(%arg21 : memref<!tpu.dma_semaphore, #tpu.memory_space<semaphore_mem>>) src(%arg12 : memref<128x64xf32, #tpu.memory_space<vmem>>) dst(%dma_wait3A_255 : memref<10240x64xf32, #tpu.memory_space<vmem_shared>>)
      %add3A_256 = arith.constant 2 : i32
      %add3A_257 = arith.addi %add3A_247, %add3A_256 : i32
      %dma_start3A_258 = arith.constant 0 : i32
      %dma_start3A_259 = tpu.memref_slice %arg8[%add3A_257, %dma_start3A_258] : memref<160x128xi32, #tpu.memory_space<vmem>> -> memref<1x128xi32, #tpu.memory_space<vmem>>
      %dma_start3A_260 = tpu.memref_squeeze %dma_start3A_259 : memref<1x128xi32, #tpu.memory_space<vmem>> -> memref<128xi32, #tpu.memory_space<vmem>>
      %dma_start3A_261 = arith.constant 0 : i32
      %dma_start3A_262 = arith.constant 0 : i32
      %dma_start3A_263 = tpu.memref_slice %arg2[%dma_start3A_261, %dma_start3A_262] : memref<20480x64xf32, #tpu.memory_space<hbm>> -> memref<20480x64xf32, #tpu.memory_space<hbm>>
      tpu.enqueue_indirect_dma source(%dma_start3A_263 : memref<20480x64xf32, #tpu.memory_space<hbm>>) target(%arg12 : memref<128x64xf32, #tpu.memory_space<vmem>>) offsets(%dma_start3A_260 : memref<128xi32, #tpu.memory_space<vmem>>) semaphore(%arg17 : memref<!tpu.dma_semaphore, #tpu.memory_space<semaphore_mem>>)
      %dma_wait3A_264 = arith.constant 0 : i32
      %dma_wait3A_265 = tpu.memref_slice %arg8[%add3A_247, %dma_wait3A_264] : memref<160x128xi32, #tpu.memory_space<vmem>> -> memref<1x128xi32, #tpu.memory_space<vmem>>
      %dma_wait3A_266 = tpu.memref_squeeze %dma_wait3A_265 : memref<1x128xi32, #tpu.memory_space<vmem>> -> memref<128xi32, #tpu.memory_space<vmem>>
      %dma_wait3A_267 = arith.constant 0 : i32
      %dma_wait3A_268 = arith.constant 0 : i32
      %dma_wait3A_269 = tpu.memref_slice %arg2[%dma_wait3A_267, %dma_wait3A_268] : memref<20480x64xf32, #tpu.memory_space<hbm>> -> memref<20480x64xf32, #tpu.memory_space<hbm>>
      tpu.wait_indirect_dma semaphore(%arg15 : memref<!tpu.dma_semaphore, #tpu.memory_space<semaphore_mem>>) src(%dma_wait3A_269 : memref<20480x64xf32, #tpu.memory_space<hbm>>) dst(%arg10 : memref<128x64xf32, #tpu.memory_space<vmem>>)
      %dma_start3A_270 = arith.constant 0 : i32
      %dma_start3A_271 = tpu.memref_slice %arg9[%add3A_247, %dma_start3A_270] : memref<160x128xi32, #tpu.memory_space<vmem>> -> memref<1x128xi32, #tpu.memory_space<vmem>>
      %dma_start3A_272 = tpu.memref_squeeze %dma_start3A_271 : memref<1x128xi32, #tpu.memory_space<vmem>> -> memref<128xi32, #tpu.memory_space<vmem>>
      %dma_start3A_273 = arith.constant 0 : i32
      %dma_start3A_274 = arith.constant 0 : i32
      %dma_start3A_275 = tpu.memref_slice %arg14[%dma_start3A_273, %dma_start3A_274] : memref<10240x64xf32, #tpu.memory_space<vmem_shared>> -> memref<10240x64xf32, #tpu.memory_space<vmem_shared>>
      tpu.enqueue_indirect_dma source(%arg10 : memref<128x64xf32, #tpu.memory_space<vmem>>) target(%dma_start3A_275 : memref<10240x64xf32, #tpu.memory_space<vmem_shared>>) offsets(%dma_start3A_272 : memref<128xi32, #tpu.memory_space<vmem>>) semaphore(%arg19 : memref<!tpu.dma_semaphore, #tpu.memory_space<semaphore_mem>>) {add = true}
      %lt3A_276 = arith.constant 80 : i32
      %lt3A_277 = arith.cmpi slt, %add3A_247, %lt3A_276 : i32
      %eq3A_278 = arith.constant 0 : i32
      %eq3A_279 = arith.cmpi eq, %arg0, %eq3A_278 : i32
      %eq3A_280 = arith.xori %lt3A_277, %eq3A_279 : i1
      %eq3A_281 = arith.constant true
      %eq3A_282 = arith.xori %eq3A_280, %eq3A_281 : i1
      %convert_element_type3A_283 = arith.extui %eq3A_282 : i1 to i32
      %cond3A_284 = arith.constant 0 : i32
      %cond3A_285 = arith.cmpi ne, %convert_element_type3A_283, %cond3A_284 : i32
      scf.if %cond3A_285 {
        %get3A = arith.index_cast %add3A_247 : i32 to index
        %get3A_326 = arith.constant 0 : index
        %get3A_327 = tpu.vector_load %arg9[%get3A, %get3A_326] {strides = array<i32>} : memref<160x128xi32, #tpu.memory_space<vmem>>, vector<16xi32>,
        tpu.vector_store_idx %arg23[%get3A_327], %broadcast_in_dim3A_12 {add = true} : memref<10240xf32, #tpu.memory_space<vmem>>[vector<16xi32>], vector<16xf32>,
        %get3A_328 = arith.index_cast %add3A_247 : i32 to index
        %get3A_329 = arith.constant 16 : index
        %get3A_330 = tpu.vector_load %arg9[%get3A_328, %get3A_329] {strides = array<i32>} : memref<160x128xi32, #tpu.memory_space<vmem>>, vector<16xi32>,
        tpu.vector_store_idx %arg23[%get3A_330], %broadcast_in_dim3A_12 {add = true} : memref<10240xf32, #tpu.memory_space<vmem>>[vector<16xi32>], vector<16xf32>,
        %get3A_331 = arith.index_cast %add3A_247 : i32 to index
        %get3A_332 = arith.constant 32 : index
        %get3A_333 = tpu.vector_load %arg9[%get3A_331, %get3A_332] {strides = array<i32>} : memref<160x128xi32, #tpu.memory_space<vmem>>, vector<16xi32>,
        tpu.vector_store_idx %arg23[%get3A_333], %broadcast_in_dim3A_12 {add = true} : memref<10240xf32, #tpu.memory_space<vmem>>[vector<16xi32>], vector<16xf32>,
        %get3A_334 = arith.index_cast %add3A_247 : i32 to index
        %get3A_335 = arith.constant 48 : index
        %get3A_336 = tpu.vector_load %arg9[%get3A_334, %get3A_335] {strides = array<i32>} : memref<160x128xi32, #tpu.memory_space<vmem>>, vector<16xi32>,
        tpu.vector_store_idx %arg23[%get3A_336], %broadcast_in_dim3A_12 {add = true} : memref<10240xf32, #tpu.memory_space<vmem>>[vector<16xi32>], vector<16xf32>,
        %get3A_337 = arith.index_cast %add3A_247 : i32 to index
        %get3A_338 = arith.constant 64 : index
        %get3A_339 = tpu.vector_load %arg9[%get3A_337, %get3A_338] {strides = array<i32>} : memref<160x128xi32, #tpu.memory_space<vmem>>, vector<16xi32>,
        tpu.vector_store_idx %arg23[%get3A_339], %broadcast_in_dim3A_12 {add = true} : memref<10240xf32, #tpu.memory_space<vmem>>[vector<16xi32>], vector<16xf32>,
        %get3A_340 = arith.index_cast %add3A_247 : i32 to index
        %get3A_341 = arith.constant 80 : index
        %get3A_342 = tpu.vector_load %arg9[%get3A_340, %get3A_341] {strides = array<i32>} : memref<160x128xi32, #tpu.memory_space<vmem>>, vector<16xi32>,
        tpu.vector_store_idx %arg23[%get3A_342], %broadcast_in_dim3A_12 {add = true} : memref<10240xf32, #tpu.memory_space<vmem>>[vector<16xi32>], vector<16xf32>,
        %get3A_343 = arith.index_cast %add3A_247 : i32 to index
        %get3A_344 = arith.constant 96 : index
        %get3A_345 = tpu.vector_load %arg9[%get3A_343, %get3A_344] {strides = array<i32>} : memref<160x128xi32, #tpu.memory_space<vmem>>, vector<16xi32>,
        tpu.vector_store_idx %arg23[%get3A_345], %broadcast_in_dim3A_12 {add = true} : memref<10240xf32, #tpu.memory_space<vmem>>[vector<16xi32>], vector<16xf32>,
        %get3A_346 = arith.index_cast %add3A_247 : i32 to index
        %get3A_347 = arith.constant 112 : index
        %get3A_348 = tpu.vector_load %arg9[%get3A_346, %get3A_347] {strides = array<i32>} : memref<160x128xi32, #tpu.memory_space<vmem>>, vector<16xi32>,
        tpu.vector_store_idx %arg23[%get3A_348], %broadcast_in_dim3A_12 {add = true} : memref<10240xf32, #tpu.memory_space<vmem>>[vector<16xi32>], vector<16xf32>,
      } else {
      }
      %add3A_286 = arith.constant 3 : i32
      %add3A_287 = arith.addi %add3A_167, %add3A_286 : i32
      %sub3A_288 = arith.constant 2 : i32
      %sub3A_289 = arith.subi %add3A_287, %sub3A_288 : i32
      %dma_wait3A_290 = arith.constant 0 : i32
      %dma_wait3A_291 = tpu.memref_slice %arg9[%sub3A_289, %dma_wait3A_290] : memref<160x128xi32, #tpu.memory_space<vmem>> -> memref<1x128xi32, #tpu.memory_space<vmem>>
      %dma_wait3A_292 = tpu.memref_squeeze %dma_wait3A_291 : memref<1x128xi32, #tpu.memory_space<vmem>> -> memref<128xi32, #tpu.memory_space<vmem>>
      %dma_wait3A_293 = arith.constant 0 : i32
      %dma_wait3A_294 = arith.constant 0 : i32
      %dma_wait3A_295 = tpu.memref_slice %arg14[%dma_wait3A_293, %dma_wait3A_294] : memref<10240x64xf32, #tpu.memory_space<vmem_shared>> -> memref<10240x64xf32, #tpu.memory_space<vmem_shared>>
      tpu.wait_indirect_dma semaphore(%arg22 : memref<!tpu.dma_semaphore, #tpu.memory_space<semaphore_mem>>) src(%arg13 : memref<128x64xf32, #tpu.memory_space<vmem>>) dst(%dma_wait3A_295 : memref<10240x64xf32, #tpu.memory_space<vmem_shared>>)
      %add3A_296 = arith.constant 2 : i32
      %add3A_297 = arith.addi %add3A_287, %add3A_296 : i32
      %dma_start3A_298 = arith.constant 0 : i32
      %dma_start3A_299 = tpu.memref_slice %arg8[%add3A_297, %dma_start3A_298] : memref<160x128xi32, #tpu.memory_space<vmem>> -> memref<1x128xi32, #tpu.memory_space<vmem>>
      %dma_start3A_300 = tpu.memref_squeeze %dma_start3A_299 : memref<1x128xi32, #tpu.memory_space<vmem>> -> memref<128xi32, #tpu.memory_space<vmem>>
      %dma_start3A_301 = arith.constant 0 : i32
      %dma_start3A_302 = arith.constant 0 : i32
      %dma_start3A_303 = tpu.memref_slice %arg2[%dma_start3A_301, %dma_start3A_302] : memref<20480x64xf32, #tpu.memory_space<hbm>> -> memref<20480x64xf32, #tpu.memory_space<hbm>>
      tpu.enqueue_indirect_dma source(%dma_start3A_303 : memref<20480x64xf32, #tpu.memory_space<hbm>>) target(%arg13 : memref<128x64xf32, #tpu.memory_space<vmem>>) offsets(%dma_start3A_300 : memref<128xi32, #tpu.memory_space<vmem>>) semaphore(%arg18 : memref<!tpu.dma_semaphore, #tpu.memory_space<semaphore_mem>>)
      %dma_wait3A_304 = arith.constant 0 : i32
      %dma_wait3A_305 = tpu.memref_slice %arg8[%add3A_287, %dma_wait3A_304] : memref<160x128xi32, #tpu.memory_space<vmem>> -> memref<1x128xi32, #tpu.memory_space<vmem>>
      %dma_wait3A_306 = tpu.memref_squeeze %dma_wait3A_305 : memref<1x128xi32, #tpu.memory_space<vmem>> -> memref<128xi32, #tpu.memory_space<vmem>>
      %dma_wait3A_307 = arith.constant 0 : i32
      %dma_wait3A_308 = arith.constant 0 : i32
      %dma_wait3A_309 = tpu.memref_slice %arg2[%dma_wait3A_307, %dma_wait3A_308] : memref<20480x64xf32, #tpu.memory_space<hbm>> -> memref<20480x64xf32, #tpu.memory_space<hbm>>
      tpu.wait_indirect_dma semaphore(%arg16 : memref<!tpu.dma_semaphore, #tpu.memory_space<semaphore_mem>>) src(%dma_wait3A_309 : memref<20480x64xf32, #tpu.memory_space<hbm>>) dst(%arg11 : memref<128x64xf32, #tpu.memory_space<vmem>>)
      %dma_start3A_310 = arith.constant 0 : i32
      %dma_start3A_311 = tpu.memref_slice %arg9[%add3A_287, %dma_start3A_310] : memref<160x128xi32, #tpu.memory_space<vmem>> -> memref<1x128xi32, #tpu.memory_space<vmem>>
      %dma_start3A_312 = tpu.memref_squeeze %dma_start3A_311 : memref<1x128xi32, #tpu.memory_space<vmem>> -> memref<128xi32, #tpu.memory_space<vmem>>
      %dma_start3A_313 = arith.constant 0 : i32
      %dma_start3A_314 = arith.constant 0 : i32
      %dma_start3A_315 = tpu.memref_slice %arg14[%dma_start3A_313, %dma_start3A_314] : memref<10240x64xf32, #tpu.memory_space<vmem_shared>> -> memref<10240x64xf32, #tpu.memory_space<vmem_shared>>
      tpu.enqueue_indirect_dma source(%arg11 : memref<128x64xf32, #tpu.memory_space<vmem>>) target(%dma_start3A_315 : memref<10240x64xf32, #tpu.memory_space<vmem_shared>>) offsets(%dma_start3A_312 : memref<128xi32, #tpu.memory_space<vmem>>) semaphore(%arg20 : memref<!tpu.dma_semaphore, #tpu.memory_space<semaphore_mem>>) {add = true}
      %lt3A_316 = arith.constant 80 : i32
      %lt3A_317 = arith.cmpi slt, %add3A_287, %lt3A_316 : i32
      %eq3A_318 = arith.constant 0 : i32
      %eq3A_319 = arith.cmpi eq, %arg0, %eq3A_318 : i32
      %eq3A_320 = arith.xori %lt3A_317, %eq3A_319 : i1
      %eq3A_321 = arith.constant true
      %eq3A_322 = arith.xori %eq3A_320, %eq3A_321 : i1
      %convert_element_type3A_323 = arith.extui %eq3A_322 : i1 to i32
      %cond3A_324 = arith.constant 0 : i32
      %cond3A_325 = arith.cmpi ne, %convert_element_type3A_323, %cond3A_324 : i32
      scf.if %cond3A_325 {
        %get3A = arith.index_cast %add3A_287 : i32 to index
        %get3A_326 = arith.constant 0 : index
        %get3A_327 = tpu.vector_load %arg9[%get3A, %get3A_326] {strides = array<i32>} : memref<160x128xi32, #tpu.memory_space<vmem>>, vector<16xi32>,
        tpu.vector_store_idx %arg23[%get3A_327], %broadcast_in_dim3A_12 {add = true} : memref<10240xf32, #tpu.memory_space<vmem>>[vector<16xi32>], vector<16xf32>,
        %get3A_328 = arith.index_cast %add3A_287 : i32 to index
        %get3A_329 = arith.constant 16 : index
        %get3A_330 = tpu.vector_load %arg9[%get3A_328, %get3A_329] {strides = array<i32>} : memref<160x128xi32, #tpu.memory_space<vmem>>, vector<16xi32>,
        tpu.vector_store_idx %arg23[%get3A_330], %broadcast_in_dim3A_12 {add = true} : memref<10240xf32, #tpu.memory_space<vmem>>[vector<16xi32>], vector<16xf32>,
        %get3A_331 = arith.index_cast %add3A_287 : i32 to index
        %get3A_332 = arith.constant 32 : index
        %get3A_333 = tpu.vector_load %arg9[%get3A_331, %get3A_332] {strides = array<i32>} : memref<160x128xi32, #tpu.memory_space<vmem>>, vector<16xi32>,
        tpu.vector_store_idx %arg23[%get3A_333], %broadcast_in_dim3A_12 {add = true} : memref<10240xf32, #tpu.memory_space<vmem>>[vector<16xi32>], vector<16xf32>,
        %get3A_334 = arith.index_cast %add3A_287 : i32 to index
        %get3A_335 = arith.constant 48 : index
        %get3A_336 = tpu.vector_load %arg9[%get3A_334, %get3A_335] {strides = array<i32>} : memref<160x128xi32, #tpu.memory_space<vmem>>, vector<16xi32>,
        tpu.vector_store_idx %arg23[%get3A_336], %broadcast_in_dim3A_12 {add = true} : memref<10240xf32, #tpu.memory_space<vmem>>[vector<16xi32>], vector<16xf32>,
        %get3A_337 = arith.index_cast %add3A_287 : i32 to index
        %get3A_338 = arith.constant 64 : index
        %get3A_339 = tpu.vector_load %arg9[%get3A_337, %get3A_338] {strides = array<i32>} : memref<160x128xi32, #tpu.memory_space<vmem>>, vector<16xi32>,
        tpu.vector_store_idx %arg23[%get3A_339], %broadcast_in_dim3A_12 {add = true} : memref<10240xf32, #tpu.memory_space<vmem>>[vector<16xi32>], vector<16xf32>,
        %get3A_340 = arith.index_cast %add3A_287 : i32 to index
        %get3A_341 = arith.constant 80 : index
        %get3A_342 = tpu.vector_load %arg9[%get3A_340, %get3A_341] {strides = array<i32>} : memref<160x128xi32, #tpu.memory_space<vmem>>, vector<16xi32>,
        tpu.vector_store_idx %arg23[%get3A_342], %broadcast_in_dim3A_12 {add = true} : memref<10240xf32, #tpu.memory_space<vmem>>[vector<16xi32>], vector<16xf32>,
        %get3A_343 = arith.index_cast %add3A_287 : i32 to index
        %get3A_344 = arith.constant 96 : index
        %get3A_345 = tpu.vector_load %arg9[%get3A_343, %get3A_344] {strides = array<i32>} : memref<160x128xi32, #tpu.memory_space<vmem>>, vector<16xi32>,
        tpu.vector_store_idx %arg23[%get3A_345], %broadcast_in_dim3A_12 {add = true} : memref<10240xf32, #tpu.memory_space<vmem>>[vector<16xi32>], vector<16xf32>,
        %get3A_346 = arith.index_cast %add3A_287 : i32 to index
        %get3A_347 = arith.constant 112 : index
        %get3A_348 = tpu.vector_load %arg9[%get3A_346, %get3A_347] {strides = array<i32>} : memref<160x128xi32, #tpu.memory_space<vmem>>, vector<16xi32>,
        tpu.vector_store_idx %arg23[%get3A_348], %broadcast_in_dim3A_12 {add = true} : memref<10240xf32, #tpu.memory_space<vmem>>[vector<16xi32>], vector<16xf32>,
      } else {
      }
    }
    %scan3A_87 = arith.constant 39 : i32
    %dma_wait3A_88 = arith.constant 158 : i32
    %dma_wait3A_89 = arith.constant 0 : i32
    %dma_wait3A_90 = tpu.memref_slice %arg8[%dma_wait3A_88, %dma_wait3A_89] : memref<160x128xi32, #tpu.memory_space<vmem>> -> memref<1x128xi32, #tpu.memory_space<vmem>>
    %dma_wait3A_91 = tpu.memref_squeeze %dma_wait3A_90 : memref<1x128xi32, #tpu.memory_space<vmem>> -> memref<128xi32, #tpu.memory_space<vmem>>
    %dma_wait3A_92 = arith.constant 0 : i32
    %dma_wait3A_93 = arith.constant 0 : i32
    %dma_wait3A_94 = tpu.memref_slice %arg2[%dma_wait3A_92, %dma_wait3A_93] : memref<20480x64xf32, #tpu.memory_space<hbm>> -> memref<20480x64xf32, #tpu.memory_space<hbm>>
    tpu.wait_indirect_dma semaphore(%arg17 : memref<!tpu.dma_semaphore, #tpu.memory_space<semaphore_mem>>) src(%dma_wait3A_94 : memref<20480x64xf32, #tpu.memory_space<hbm>>) dst(%arg12 : memref<128x64xf32, #tpu.memory_space<vmem>>)
    %dma_start3A_95 = arith.constant 158 : i32
    %dma_start3A_96 = arith.constant 0 : i32
    %dma_start3A_97 = tpu.memref_slice %arg9[%dma_start3A_95, %dma_start3A_96] : memref<160x128xi32, #tpu.memory_space<vmem>> -> memref<1x128xi32, #tpu.memory_space<vmem>>
    %dma_start3A_98 = tpu.memref_squeeze %dma_start3A_97 : memref<1x128xi32, #tpu.memory_space<vmem>> -> memref<128xi32, #tpu.memory_space<vmem>>
    %dma_start3A_99 = arith.constant 0 : i32
    %dma_start3A_100 = arith.constant 0 : i32
    %dma_start3A_101 = tpu.memref_slice %arg14[%dma_start3A_99, %dma_start3A_100] : memref<10240x64xf32, #tpu.memory_space<vmem_shared>> -> memref<10240x64xf32, #tpu.memory_space<vmem_shared>>
    tpu.enqueue_indirect_dma source(%arg12 : memref<128x64xf32, #tpu.memory_space<vmem>>) target(%dma_start3A_101 : memref<10240x64xf32, #tpu.memory_space<vmem_shared>>) offsets(%dma_start3A_98 : memref<128xi32, #tpu.memory_space<vmem>>) semaphore(%arg21 : memref<!tpu.dma_semaphore, #tpu.memory_space<semaphore_mem>>) {add = true}
    %eq3A_102 = arith.constant 0 : i32
    %eq3A_103 = arith.cmpi eq, %arg0, %eq3A_102 : i32
    %eq3A_104 = arith.constant false
    %eq3A_105 = arith.xori %eq3A_103, %eq3A_104 : i1
    %eq3A_106 = arith.constant true
    %eq3A_107 = arith.xori %eq3A_105, %eq3A_106 : i1
    %convert_element_type3A_108 = arith.extui %eq3A_107 : i1 to i32
    %cond3A_109 = arith.constant 0 : i32
    %cond3A_110 = arith.cmpi ne, %convert_element_type3A_108, %cond3A_109 : i32
    scf.if %cond3A_110 {
      %get3A = arith.constant 158 : i32
      %get3A_163 = arith.index_cast %get3A : i32 to index
      %get3A_164 = arith.constant 0 : index
      %get3A_165 = tpu.vector_load %arg9[%get3A_163, %get3A_164] {strides = array<i32>} : memref<160x128xi32, #tpu.memory_space<vmem>>, vector<16xi32>,
      tpu.vector_store_idx %arg23[%get3A_165], %broadcast_in_dim3A_12 {add = true} : memref<10240xf32, #tpu.memory_space<vmem>>[vector<16xi32>], vector<16xf32>,
      %get3A_166 = arith.constant 158 : i32
      %get3A_167 = arith.index_cast %get3A_166 : i32 to index
      %get3A_168 = arith.constant 16 : index
      %get3A_169 = tpu.vector_load %arg9[%get3A_167, %get3A_168] {strides = array<i32>} : memref<160x128xi32, #tpu.memory_space<vmem>>, vector<16xi32>,
      tpu.vector_store_idx %arg23[%get3A_169], %broadcast_in_dim3A_12 {add = true} : memref<10240xf32, #tpu.memory_space<vmem>>[vector<16xi32>], vector<16xf32>,
      %get3A_170 = arith.constant 158 : i32
      %get3A_171 = arith.index_cast %get3A_170 : i32 to index
      %get3A_172 = arith.constant 32 : index
      %get3A_173 = tpu.vector_load %arg9[%get3A_171, %get3A_172] {strides = array<i32>} : memref<160x128xi32, #tpu.memory_space<vmem>>, vector<16xi32>,
      tpu.vector_store_idx %arg23[%get3A_173], %broadcast_in_dim3A_12 {add = true} : memref<10240xf32, #tpu.memory_space<vmem>>[vector<16xi32>], vector<16xf32>,
      %get3A_174 = arith.constant 158 : i32
      %get3A_175 = arith.index_cast %get3A_174 : i32 to index
      %get3A_176 = arith.constant 48 : index
      %get3A_177 = tpu.vector_load %arg9[%get3A_175, %get3A_176] {strides = array<i32>} : memref<160x128xi32, #tpu.memory_space<vmem>>, vector<16xi32>,
      tpu.vector_store_idx %arg23[%get3A_177], %broadcast_in_dim3A_12 {add = true} : memref<10240xf32, #tpu.memory_space<vmem>>[vector<16xi32>], vector<16xf32>,
      %get3A_178 = arith.constant 158 : i32
      %get3A_179 = arith.index_cast %get3A_178 : i32 to index
      %get3A_180 = arith.constant 64 : index
      %get3A_181 = tpu.vector_load %arg9[%get3A_179, %get3A_180] {strides = array<i32>} : memref<160x128xi32, #tpu.memory_space<vmem>>, vector<16xi32>,
      tpu.vector_store_idx %arg23[%get3A_181], %broadcast_in_dim3A_12 {add = true} : memref<10240xf32, #tpu.memory_space<vmem>>[vector<16xi32>], vector<16xf32>,
      %get3A_182 = arith.constant 158 : i32
      %get3A_183 = arith.index_cast %get3A_182 : i32 to index
      %get3A_184 = arith.constant 80 : index
      %get3A_185 = tpu.vector_load %arg9[%get3A_183, %get3A_184] {strides = array<i32>} : memref<160x128xi32, #tpu.memory_space<vmem>>, vector<16xi32>,
      tpu.vector_store_idx %arg23[%get3A_185], %broadcast_in_dim3A_12 {add = true} : memref<10240xf32, #tpu.memory_space<vmem>>[vector<16xi32>], vector<16xf32>,
      %get3A_186 = arith.constant 158 : i32
      %get3A_187 = arith.index_cast %get3A_186 : i32 to index
      %get3A_188 = arith.constant 96 : index
      %get3A_189 = tpu.vector_load %arg9[%get3A_187, %get3A_188] {strides = array<i32>} : memref<160x128xi32, #tpu.memory_space<vmem>>, vector<16xi32>,
      tpu.vector_store_idx %arg23[%get3A_189], %broadcast_in_dim3A_12 {add = true} : memref<10240xf32, #tpu.memory_space<vmem>>[vector<16xi32>], vector<16xf32>,
      %get3A_190 = arith.constant 158 : i32
      %get3A_191 = arith.index_cast %get3A_190 : i32 to index
      %get3A_192 = arith.constant 112 : index
      %get3A_193 = tpu.vector_load %arg9[%get3A_191, %get3A_192] {strides = array<i32>} : memref<160x128xi32, #tpu.memory_space<vmem>>, vector<16xi32>,
      tpu.vector_store_idx %arg23[%get3A_193], %broadcast_in_dim3A_12 {add = true} : memref<10240xf32, #tpu.memory_space<vmem>>[vector<16xi32>], vector<16xf32>,
    } else {
    }
    %dma_wait3A_111 = arith.constant 159 : i32
    %dma_wait3A_112 = arith.constant 0 : i32
    %dma_wait3A_113 = tpu.memref_slice %arg8[%dma_wait3A_111, %dma_wait3A_112] : memref<160x128xi32, #tpu.memory_space<vmem>> -> memref<1x128xi32, #tpu.memory_space<vmem>>
    %dma_wait3A_114 = tpu.memref_squeeze %dma_wait3A_113 : memref<1x128xi32, #tpu.memory_space<vmem>> -> memref<128xi32, #tpu.memory_space<vmem>>
    %dma_wait3A_115 = arith.constant 0 : i32
    %dma_wait3A_116 = arith.constant 0 : i32
    %dma_wait3A_117 = tpu.memref_slice %arg2[%dma_wait3A_115, %dma_wait3A_116] : memref<20480x64xf32, #tpu.memory_space<hbm>> -> memref<20480x64xf32, #tpu.memory_space<hbm>>
    tpu.wait_indirect_dma semaphore(%arg18 : memref<!tpu.dma_semaphore, #tpu.memory_space<semaphore_mem>>) src(%dma_wait3A_117 : memref<20480x64xf32, #tpu.memory_space<hbm>>) dst(%arg13 : memref<128x64xf32, #tpu.memory_space<vmem>>)
    %dma_start3A_118 = arith.constant 159 : i32
    %dma_start3A_119 = arith.constant 0 : i32
    %dma_start3A_120 = tpu.memref_slice %arg9[%dma_start3A_118, %dma_start3A_119] : memref<160x128xi32, #tpu.memory_space<vmem>> -> memref<1x128xi32, #tpu.memory_space<vmem>>
    %dma_start3A_121 = tpu.memref_squeeze %dma_start3A_120 : memref<1x128xi32, #tpu.memory_space<vmem>> -> memref<128xi32, #tpu.memory_space<vmem>>
    %dma_start3A_122 = arith.constant 0 : i32
    %dma_start3A_123 = arith.constant 0 : i32
    %dma_start3A_124 = tpu.memref_slice %arg14[%dma_start3A_122, %dma_start3A_123] : memref<10240x64xf32, #tpu.memory_space<vmem_shared>> -> memref<10240x64xf32, #tpu.memory_space<vmem_shared>>
    tpu.enqueue_indirect_dma source(%arg13 : memref<128x64xf32, #tpu.memory_space<vmem>>) target(%dma_start3A_124 : memref<10240x64xf32, #tpu.memory_space<vmem_shared>>) offsets(%dma_start3A_121 : memref<128xi32, #tpu.memory_space<vmem>>) semaphore(%arg22 : memref<!tpu.dma_semaphore, #tpu.memory_space<semaphore_mem>>) {add = true}
    %eq3A_125 = arith.constant 0 : i32
    %eq3A_126 = arith.cmpi eq, %arg0, %eq3A_125 : i32
    %eq3A_127 = arith.constant false
    %eq3A_128 = arith.xori %eq3A_126, %eq3A_127 : i1
    %eq3A_129 = arith.constant true
    %eq3A_130 = arith.xori %eq3A_128, %eq3A_129 : i1
    %convert_element_type3A_131 = arith.extui %eq3A_130 : i1 to i32
    %cond3A_132 = arith.constant 0 : i32
    %cond3A_133 = arith.cmpi ne, %convert_element_type3A_131, %cond3A_132 : i32
    scf.if %cond3A_133 {
      %get3A = arith.constant 159 : i32
      %get3A_163 = arith.index_cast %get3A : i32 to index
      %get3A_164 = arith.constant 0 : index
      %get3A_165 = tpu.vector_load %arg9[%get3A_163, %get3A_164] {strides = array<i32>} : memref<160x128xi32, #tpu.memory_space<vmem>>, vector<16xi32>,
      tpu.vector_store_idx %arg23[%get3A_165], %broadcast_in_dim3A_12 {add = true} : memref<10240xf32, #tpu.memory_space<vmem>>[vector<16xi32>], vector<16xf32>,
      %get3A_166 = arith.constant 159 : i32
      %get3A_167 = arith.index_cast %get3A_166 : i32 to index
      %get3A_168 = arith.constant 16 : index
      %get3A_169 = tpu.vector_load %arg9[%get3A_167, %get3A_168] {strides = array<i32>} : memref<160x128xi32, #tpu.memory_space<vmem>>, vector<16xi32>,
      tpu.vector_store_idx %arg23[%get3A_169], %broadcast_in_dim3A_12 {add = true} : memref<10240xf32, #tpu.memory_space<vmem>>[vector<16xi32>], vector<16xf32>,
      %get3A_170 = arith.constant 159 : i32
      %get3A_171 = arith.index_cast %get3A_170 : i32 to index
      %get3A_172 = arith.constant 32 : index
      %get3A_173 = tpu.vector_load %arg9[%get3A_171, %get3A_172] {strides = array<i32>} : memref<160x128xi32, #tpu.memory_space<vmem>>, vector<16xi32>,
      tpu.vector_store_idx %arg23[%get3A_173], %broadcast_in_dim3A_12 {add = true} : memref<10240xf32, #tpu.memory_space<vmem>>[vector<16xi32>], vector<16xf32>,
      %get3A_174 = arith.constant 159 : i32
      %get3A_175 = arith.index_cast %get3A_174 : i32 to index
      %get3A_176 = arith.constant 48 : index
      %get3A_177 = tpu.vector_load %arg9[%get3A_175, %get3A_176] {strides = array<i32>} : memref<160x128xi32, #tpu.memory_space<vmem>>, vector<16xi32>,
      tpu.vector_store_idx %arg23[%get3A_177], %broadcast_in_dim3A_12 {add = true} : memref<10240xf32, #tpu.memory_space<vmem>>[vector<16xi32>], vector<16xf32>,
      %get3A_178 = arith.constant 159 : i32
      %get3A_179 = arith.index_cast %get3A_178 : i32 to index
      %get3A_180 = arith.constant 64 : index
      %get3A_181 = tpu.vector_load %arg9[%get3A_179, %get3A_180] {strides = array<i32>} : memref<160x128xi32, #tpu.memory_space<vmem>>, vector<16xi32>,
      tpu.vector_store_idx %arg23[%get3A_181], %broadcast_in_dim3A_12 {add = true} : memref<10240xf32, #tpu.memory_space<vmem>>[vector<16xi32>], vector<16xf32>,
      %get3A_182 = arith.constant 159 : i32
      %get3A_183 = arith.index_cast %get3A_182 : i32 to index
      %get3A_184 = arith.constant 80 : index
      %get3A_185 = tpu.vector_load %arg9[%get3A_183, %get3A_184] {strides = array<i32>} : memref<160x128xi32, #tpu.memory_space<vmem>>, vector<16xi32>,
      tpu.vector_store_idx %arg23[%get3A_185], %broadcast_in_dim3A_12 {add = true} : memref<10240xf32, #tpu.memory_space<vmem>>[vector<16xi32>], vector<16xf32>,
      %get3A_186 = arith.constant 159 : i32
      %get3A_187 = arith.index_cast %get3A_186 : i32 to index
      %get3A_188 = arith.constant 96 : index
      %get3A_189 = tpu.vector_load %arg9[%get3A_187, %get3A_188] {strides = array<i32>} : memref<160x128xi32, #tpu.memory_space<vmem>>, vector<16xi32>,
      tpu.vector_store_idx %arg23[%get3A_189], %broadcast_in_dim3A_12 {add = true} : memref<10240xf32, #tpu.memory_space<vmem>>[vector<16xi32>], vector<16xf32>,
      %get3A_190 = arith.constant 159 : i32
      %get3A_191 = arith.index_cast %get3A_190 : i32 to index
      %get3A_192 = arith.constant 112 : index
      %get3A_193 = tpu.vector_load %arg9[%get3A_191, %get3A_192] {strides = array<i32>} : memref<160x128xi32, #tpu.memory_space<vmem>>, vector<16xi32>,
      tpu.vector_store_idx %arg23[%get3A_193], %broadcast_in_dim3A_12 {add = true} : memref<10240xf32, #tpu.memory_space<vmem>>[vector<16xi32>], vector<16xf32>,
    } else {
    }
    %dma_wait3A_134 = arith.constant 156 : i32
    %dma_wait3A_135 = arith.constant 0 : i32
    %dma_wait3A_136 = tpu.memref_slice %arg9[%dma_wait3A_134, %dma_wait3A_135] : memref<160x128xi32, #tpu.memory_space<vmem>> -> memref<1x128xi32, #tpu.memory_space<vmem>>
    %dma_wait3A_137 = tpu.memref_squeeze %dma_wait3A_136 : memref<1x128xi32, #tpu.memory_space<vmem>> -> memref<128xi32, #tpu.memory_space<vmem>>
    %dma_wait3A_138 = arith.constant 0 : i32
    %dma_wait3A_139 = arith.constant 0 : i32
    %dma_wait3A_140 = tpu.memref_slice %arg14[%dma_wait3A_138, %dma_wait3A_139] : memref<10240x64xf32, #tpu.memory_space<vmem_shared>> -> memref<10240x64xf32, #tpu.memory_space<vmem_shared>>
    tpu.wait_indirect_dma semaphore(%arg19 : memref<!tpu.dma_semaphore, #tpu.memory_space<semaphore_mem>>) src(%arg10 : memref<128x64xf32, #tpu.memory_space<vmem>>) dst(%dma_wait3A_140 : memref<10240x64xf32, #tpu.memory_space<vmem_shared>>)
    %dma_wait3A_141 = arith.constant 157 : i32
    %dma_wait3A_142 = arith.constant 0 : i32
    %dma_wait3A_143 = tpu.memref_slice %arg9[%dma_wait3A_141, %dma_wait3A_142] : memref<160x128xi32, #tpu.memory_space<vmem>> -> memref<1x128xi32, #tpu.memory_space<vmem>>
    %dma_wait3A_144 = tpu.memref_squeeze %dma_wait3A_143 : memref<1x128xi32, #tpu.memory_space<vmem>> -> memref<128xi32, #tpu.memory_space<vmem>>
    %dma_wait3A_145 = arith.constant 0 : i32
    %dma_wait3A_146 = arith.constant 0 : i32
    %dma_wait3A_147 = tpu.memref_slice %arg14[%dma_wait3A_145, %dma_wait3A_146] : memref<10240x64xf32, #tpu.memory_space<vmem_shared>> -> memref<10240x64xf32, #tpu.memory_space<vmem_shared>>
    tpu.wait_indirect_dma semaphore(%arg20 : memref<!tpu.dma_semaphore, #tpu.memory_space<semaphore_mem>>) src(%arg11 : memref<128x64xf32, #tpu.memory_space<vmem>>) dst(%dma_wait3A_147 : memref<10240x64xf32, #tpu.memory_space<vmem_shared>>)
    %dma_wait3A_148 = arith.constant 158 : i32
    %dma_wait3A_149 = arith.constant 0 : i32
    %dma_wait3A_150 = tpu.memref_slice %arg9[%dma_wait3A_148, %dma_wait3A_149] : memref<160x128xi32, #tpu.memory_space<vmem>> -> memref<1x128xi32, #tpu.memory_space<vmem>>
    %dma_wait3A_151 = tpu.memref_squeeze %dma_wait3A_150 : memref<1x128xi32, #tpu.memory_space<vmem>> -> memref<128xi32, #tpu.memory_space<vmem>>
    %dma_wait3A_152 = arith.constant 0 : i32
    %dma_wait3A_153 = arith.constant 0 : i32
    %dma_wait3A_154 = tpu.memref_slice %arg14[%dma_wait3A_152, %dma_wait3A_153] : memref<10240x64xf32, #tpu.memory_space<vmem_shared>> -> memref<10240x64xf32, #tpu.memory_space<vmem_shared>>
    tpu.wait_indirect_dma semaphore(%arg21 : memref<!tpu.dma_semaphore, #tpu.memory_space<semaphore_mem>>) src(%arg12 : memref<128x64xf32, #tpu.memory_space<vmem>>) dst(%dma_wait3A_154 : memref<10240x64xf32, #tpu.memory_space<vmem_shared>>)
    %dma_wait3A_155 = arith.constant 159 : i32
    %dma_wait3A_156 = arith.constant 0 : i32
    %dma_wait3A_157 = tpu.memref_slice %arg9[%dma_wait3A_155, %dma_wait3A_156] : memref<160x128xi32, #tpu.memory_space<vmem>> -> memref<1x128xi32, #tpu.memory_space<vmem>>
    %dma_wait3A_158 = tpu.memref_squeeze %dma_wait3A_157 : memref<1x128xi32, #tpu.memory_space<vmem>> -> memref<128xi32, #tpu.memory_space<vmem>>
    %dma_wait3A_159 = arith.constant 0 : i32
    %dma_wait3A_160 = arith.constant 0 : i32
    %dma_wait3A_161 = tpu.memref_slice %arg14[%dma_wait3A_159, %dma_wait3A_160] : memref<10240x64xf32, #tpu.memory_space<vmem_shared>> -> memref<10240x64xf32, #tpu.memory_space<vmem_shared>>
    tpu.wait_indirect_dma semaphore(%arg22 : memref<!tpu.dma_semaphore, #tpu.memory_space<semaphore_mem>>) src(%arg13 : memref<128x64xf32, #tpu.memory_space<vmem>>) dst(%dma_wait3A_161 : memref<10240x64xf32, #tpu.memory_space<vmem_shared>>)
    "tpu.region"() ({
      %run_scoped3A = tpu.sem_alloc : memref<!tpu.dma_semaphore, #tpu.memory_space<semaphore_mem>>
      %dma_start3A_163 = arith.constant 0 : i32
      %dma_start3A_164 = tpu.memref_slice %arg7[%arg0, %arg1, %dma_start3A_163] : memref<2x16x10240xf32, #tpu.memory_space<hbm>> -> memref<1x1x10240xf32, #tpu.memory_space<hbm>>
      %dma_start3A_165 = tpu.memref_squeeze %dma_start3A_164 : memref<1x1x10240xf32, #tpu.memory_space<hbm>> -> memref<10240xf32, #tpu.memory_space<hbm>>
      %dma_start3A_166 = arith.constant 0 : i32
      %dma_start3A_167 = tpu.memref_slice %arg7[%arg0, %arg1, %dma_start3A_166] : memref<2x16x10240xf32, #tpu.memory_space<hbm>> -> memref<1x1x10240xf32, #tpu.memory_space<hbm>>
      %dma_start3A_168 = tpu.memref_squeeze %dma_start3A_167 : memref<1x1x10240xf32, #tpu.memory_space<hbm>> -> memref<10240xf32, #tpu.memory_space<hbm>>
      tpu.enqueue_dma source(%arg23 : memref<10240xf32, #tpu.memory_space<vmem>>) target(%dma_start3A_168 : memref<10240xf32, #tpu.memory_space<hbm>>) target_semaphore(%run_scoped3A : memref<!tpu.dma_semaphore, #tpu.memory_space<semaphore_mem>>)
      %dma_wait3A_169 = arith.constant 0 : i32
      %dma_wait3A_170 = tpu.memref_slice %arg7[%arg0, %arg1, %dma_wait3A_169] : memref<2x16x10240xf32, #tpu.memory_space<hbm>> -> memref<1x1x10240xf32, #tpu.memory_space<hbm>>
      %dma_wait3A_171 = tpu.memref_squeeze %dma_wait3A_170 : memref<1x1x10240xf32, #tpu.memory_space<hbm>> -> memref<10240xf32, #tpu.memory_space<hbm>>
      %dma_wait3A_172 = arith.constant 0 : i32
      %dma_wait3A_173 = tpu.memref_slice %arg7[%arg0, %arg1, %dma_wait3A_172] : memref<2x16x10240xf32, #tpu.memory_space<hbm>> -> memref<1x1x10240xf32, #tpu.memory_space<hbm>>
      %dma_wait3A_174 = tpu.memref_squeeze %dma_wait3A_173 : memref<1x1x10240xf32, #tpu.memory_space<hbm>> -> memref<10240xf32, #tpu.memory_space<hbm>>
      tpu.wait_dma2 semaphore(%run_scoped3A : memref<!tpu.dma_semaphore, #tpu.memory_space<semaphore_mem>>) src(%arg23 : memref<10240xf32, #tpu.memory_space<vmem>>) dst(%dma_wait3A_174 : memref<10240xf32, #tpu.memory_space<hbm>>)
      tpu.yield
    }) : () -> ()
    %barrier3A_162 = arith.constant 0 : index
    tpu.barrier barrier_id(%barrier3A_162)
    "tpu.region"() ({
      %run_scoped3A = tpu.sem_alloc : memref<!tpu.dma_semaphore, #tpu.memory_space<semaphore_mem>>
      %dma_start3A_163 = arith.constant 0 : i32
      %dma_start3A_164 = tpu.memref_slice %arg6[%arg0, %mul3A_0, %dma_start3A_163] : memref<2x10240x64xf32, #tpu.memory_space<hbm>> -> memref<1x640x64xf32, #tpu.memory_space<hbm>>
      %dma_start3A_165 = tpu.memref_squeeze %dma_start3A_164 : memref<1x640x64xf32, #tpu.memory_space<hbm>> -> memref<640x64xf32, #tpu.memory_space<hbm>>
      %dma_start3A_166 = arith.constant 0 : i32
      %dma_start3A_167 = tpu.memref_slice %arg14[%mul3A_0, %dma_start3A_166] : memref<10240x64xf32, #tpu.memory_space<vmem_shared>> -> memref<640x64xf32, #tpu.memory_space<vmem_shared>>
      tpu.enqueue_dma source(%dma_start3A_167 : memref<640x64xf32, #tpu.memory_space<vmem_shared>>) target(%dma_start3A_165 : memref<640x64xf32, #tpu.memory_space<hbm>>) target_semaphore(%run_scoped3A : memref<!tpu.dma_semaphore, #tpu.memory_space<semaphore_mem>>)
      %dma_wait3A_168 = arith.constant 0 : i32
      %dma_wait3A_169 = tpu.memref_slice %arg6[%arg0, %mul3A_0, %dma_wait3A_168] : memref<2x10240x64xf32, #tpu.memory_space<hbm>> -> memref<1x640x64xf32, #tpu.memory_space<hbm>>
      %dma_wait3A_170 = tpu.memref_squeeze %dma_wait3A_169 : memref<1x640x64xf32, #tpu.memory_space<hbm>> -> memref<640x64xf32, #tpu.memory_space<hbm>>
      %dma_wait3A_171 = arith.constant 0 : i32
      %dma_wait3A_172 = tpu.memref_slice %arg14[%mul3A_0, %dma_wait3A_171] : memref<10240x64xf32, #tpu.memory_space<vmem_shared>> -> memref<640x64xf32, #tpu.memory_space<vmem_shared>>
      tpu.wait_dma2 semaphore(%run_scoped3A : memref<!tpu.dma_semaphore, #tpu.memory_space<semaphore_mem>>) src(%dma_wait3A_172 : memref<640x64xf32, #tpu.memory_space<vmem_shared>>) dst(%dma_wait3A_170 : memref<640x64xf32, #tpu.memory_space<hbm>>)
      tpu.yield
    }) : () -> ()
    return
  }
}

#map = affine_map<(d0, d1) -> (0, 0)>
#map1 = affine_map<(d0, d1) -> (0, 0, 0)>
module attributes {stable_mosaic.version = 14 : i64} {
  func.func @seg(%arg0: i32, %arg1: i32, %arg2: memref<20480x64xf32, #tpu.memory_space<hbm>>, %arg3: memref<5120x128xi32, #tpu.memory_space<hbm>>, %arg4: memref<2560x128xi32, #tpu.memory_space<hbm>>, %arg5: memref<10240x64xf32, #tpu.memory_space<hbm>>, %arg6: memref<2x10240x64xf32, #tpu.memory_space<hbm>>, %arg7: memref<160x128xi32, #tpu.memory_space<vmem>>, %arg8: memref<160x128xi32, #tpu.memory_space<vmem>>, %arg9: memref<128x64xf32, #tpu.memory_space<vmem>>, %arg10: memref<128x64xf32, #tpu.memory_space<vmem>>, %arg11: memref<128x64xf32, #tpu.memory_space<vmem>>, %arg12: memref<128x64xf32, #tpu.memory_space<vmem>>, %arg13: memref<10240x64xf32, #tpu.memory_space<vmem_shared>>, %arg14: memref<!tpu.dma_semaphore, #tpu.memory_space<semaphore_mem>>, %arg15: memref<!tpu.dma_semaphore, #tpu.memory_space<semaphore_mem>>, %arg16: memref<!tpu.dma_semaphore, #tpu.memory_space<semaphore_mem>>, %arg17: memref<!tpu.dma_semaphore, #tpu.memory_space<semaphore_mem>>, %arg18: memref<!tpu.dma_semaphore, #tpu.memory_space<semaphore_mem>>, %arg19: memref<!tpu.dma_semaphore, #tpu.memory_space<semaphore_mem>>, %arg20: memref<!tpu.dma_semaphore, #tpu.memory_space<semaphore_mem>>, %arg21: memref<!tpu.dma_semaphore, #tpu.memory_space<semaphore_mem>>) attributes {dimension_semantics = [#tpu.dimension_semantics<core_parallel>, #tpu.dimension_semantics<subcore_parallel>], iteration_bounds = array<i64: 2, 16>, scalar_prefetch = 0 : i64, scratch_operands = 15 : i64, tpu.core_type = #tpu.core_type<sc_vector_subcore>, window_params = [{transform_indices = #map}, {transform_indices = #map}, {transform_indices = #map}, {transform_indices = #map}, {transform_indices = #map1}]} {
    %mul3A = arith.constant 640 : i32
    %mul3A_0 = arith.muli %arg1, %mul3A : i32
    %mul3A_1 = arith.constant 16 : i32
    %mul3A_2 = arith.muli %arg0, %mul3A_1 : i32
    %add3A = arith.addi %mul3A_2, %arg1 : i32
    %mul3A_3 = arith.constant 160 : i32
    %mul3A_4 = arith.muli %add3A, %mul3A_3 : i32
    "tpu.region"() ({
      %run_scoped3A = tpu.sem_alloc : memref<!tpu.dma_semaphore, #tpu.memory_space<semaphore_mem>>
      %dma_start3A_124 = arith.constant 0 : i32
      %dma_start3A_125 = tpu.memref_slice %arg3[%mul3A_4, %dma_start3A_124] : memref<5120x128xi32, #tpu.memory_space<hbm>> -> memref<160x128xi32, #tpu.memory_space<hbm>>
      %dma_start3A_126 = arith.constant 0 : i32
      %dma_start3A_127 = tpu.memref_slice %arg3[%mul3A_4, %dma_start3A_126] : memref<5120x128xi32, #tpu.memory_space<hbm>> -> memref<160x128xi32, #tpu.memory_space<hbm>>
      tpu.enqueue_dma source(%dma_start3A_127 : memref<160x128xi32, #tpu.memory_space<hbm>>) target(%arg7 : memref<160x128xi32, #tpu.memory_space<vmem>>) target_semaphore(%run_scoped3A : memref<!tpu.dma_semaphore, #tpu.memory_space<semaphore_mem>>)
      %dma_wait3A_128 = arith.constant 0 : i32
      %dma_wait3A_129 = tpu.memref_slice %arg3[%mul3A_4, %dma_wait3A_128] : memref<5120x128xi32, #tpu.memory_space<hbm>> -> memref<160x128xi32, #tpu.memory_space<hbm>>
      %dma_wait3A_130 = arith.constant 0 : i32
      %dma_wait3A_131 = tpu.memref_slice %arg3[%mul3A_4, %dma_wait3A_130] : memref<5120x128xi32, #tpu.memory_space<hbm>> -> memref<160x128xi32, #tpu.memory_space<hbm>>
      tpu.wait_dma2 semaphore(%run_scoped3A : memref<!tpu.dma_semaphore, #tpu.memory_space<semaphore_mem>>) src(%dma_wait3A_131 : memref<160x128xi32, #tpu.memory_space<hbm>>) dst(%arg7 : memref<160x128xi32, #tpu.memory_space<vmem>>)
      tpu.yield
    }) : () -> ()
    %mul3A_5 = arith.constant 160 : i32
    %mul3A_6 = arith.muli %arg1, %mul3A_5 : i32
    "tpu.region"() ({
      %run_scoped3A = tpu.sem_alloc : memref<!tpu.dma_semaphore, #tpu.memory_space<semaphore_mem>>
      %dma_start3A_124 = arith.constant 0 : i32
      %dma_start3A_125 = tpu.memref_slice %arg4[%mul3A_6, %dma_start3A_124] : memref<2560x128xi32, #tpu.memory_space<hbm>> -> memref<160x128xi32, #tpu.memory_space<hbm>>
      %dma_start3A_126 = arith.constant 0 : i32
      %dma_start3A_127 = tpu.memref_slice %arg4[%mul3A_6, %dma_start3A_126] : memref<2560x128xi32, #tpu.memory_space<hbm>> -> memref<160x128xi32, #tpu.memory_space<hbm>>
      tpu.enqueue_dma source(%dma_start3A_127 : memref<160x128xi32, #tpu.memory_space<hbm>>) target(%arg8 : memref<160x128xi32, #tpu.memory_space<vmem>>) target_semaphore(%run_scoped3A : memref<!tpu.dma_semaphore, #tpu.memory_space<semaphore_mem>>)
      %dma_wait3A_128 = arith.constant 0 : i32
      %dma_wait3A_129 = tpu.memref_slice %arg4[%mul3A_6, %dma_wait3A_128] : memref<2560x128xi32, #tpu.memory_space<hbm>> -> memref<160x128xi32, #tpu.memory_space<hbm>>
      %dma_wait3A_130 = arith.constant 0 : i32
      %dma_wait3A_131 = tpu.memref_slice %arg4[%mul3A_6, %dma_wait3A_130] : memref<2560x128xi32, #tpu.memory_space<hbm>> -> memref<160x128xi32, #tpu.memory_space<hbm>>
      tpu.wait_dma2 semaphore(%run_scoped3A : memref<!tpu.dma_semaphore, #tpu.memory_space<semaphore_mem>>) src(%dma_wait3A_131 : memref<160x128xi32, #tpu.memory_space<hbm>>) dst(%arg8 : memref<160x128xi32, #tpu.memory_space<vmem>>)
      tpu.yield
    }) : () -> ()
    "tpu.region"() ({
      %run_scoped3A = tpu.sem_alloc : memref<!tpu.dma_semaphore, #tpu.memory_space<semaphore_mem>>
      %dma_start3A_124 = arith.constant 0 : i32
      %dma_start3A_125 = tpu.memref_slice %arg13[%mul3A_0, %dma_start3A_124] : memref<10240x64xf32, #tpu.memory_space<vmem_shared>> -> memref<640x64xf32, #tpu.memory_space<vmem_shared>>
      %dma_start3A_126 = arith.constant 0 : i32
      %dma_start3A_127 = tpu.memref_slice %arg5[%mul3A_0, %dma_start3A_126] : memref<10240x64xf32, #tpu.memory_space<hbm>> -> memref<640x64xf32, #tpu.memory_space<hbm>>
      tpu.enqueue_dma source(%dma_start3A_127 : memref<640x64xf32, #tpu.memory_space<hbm>>) target(%dma_start3A_125 : memref<640x64xf32, #tpu.memory_space<vmem_shared>>) target_semaphore(%run_scoped3A : memref<!tpu.dma_semaphore, #tpu.memory_space<semaphore_mem>>)
      %dma_wait3A_128 = arith.constant 0 : i32
      %dma_wait3A_129 = tpu.memref_slice %arg13[%mul3A_0, %dma_wait3A_128] : memref<10240x64xf32, #tpu.memory_space<vmem_shared>> -> memref<640x64xf32, #tpu.memory_space<vmem_shared>>
      %dma_wait3A_130 = arith.constant 0 : i32
      %dma_wait3A_131 = tpu.memref_slice %arg5[%mul3A_0, %dma_wait3A_130] : memref<10240x64xf32, #tpu.memory_space<hbm>> -> memref<640x64xf32, #tpu.memory_space<hbm>>
      tpu.wait_dma2 semaphore(%run_scoped3A : memref<!tpu.dma_semaphore, #tpu.memory_space<semaphore_mem>>) src(%dma_wait3A_131 : memref<640x64xf32, #tpu.memory_space<hbm>>) dst(%dma_wait3A_129 : memref<640x64xf32, #tpu.memory_space<vmem_shared>>)
      tpu.yield
    }) : () -> ()
    %barrier3A = arith.constant 0 : index
    tpu.barrier barrier_id(%barrier3A)
    %broadcast_in_dim3A = arith.constant 1.000000e+00 : f32
    %broadcast_in_dim3A_7 = vector.broadcast %broadcast_in_dim3A : f32 to vector<16xf32>
    %dma_start3A = arith.constant 0 : i32
    %dma_start3A_8 = arith.constant 0 : i32
    %dma_start3A_9 = tpu.memref_slice %arg7[%dma_start3A, %dma_start3A_8] : memref<160x128xi32, #tpu.memory_space<vmem>> -> memref<1x128xi32, #tpu.memory_space<vmem>>
    %dma_start3A_10 = tpu.memref_squeeze %dma_start3A_9 : memref<1x128xi32, #tpu.memory_space<vmem>> -> memref<128xi32, #tpu.memory_space<vmem>>
    %dma_start3A_11 = arith.constant 0 : i32
    %dma_start3A_12 = arith.constant 0 : i32
    %dma_start3A_13 = tpu.memref_slice %arg2[%dma_start3A_11, %dma_start3A_12] : memref<20480x64xf32, #tpu.memory_space<hbm>> -> memref<20480x64xf32, #tpu.memory_space<hbm>>
    tpu.enqueue_indirect_dma source(%dma_start3A_13 : memref<20480x64xf32, #tpu.memory_space<hbm>>) target(%arg9 : memref<128x64xf32, #tpu.memory_space<vmem>>) offsets(%dma_start3A_10 : memref<128xi32, #tpu.memory_space<vmem>>) semaphore(%arg14 : memref<!tpu.dma_semaphore, #tpu.memory_space<semaphore_mem>>)
    %dma_start3A_14 = arith.constant 1 : i32
    %dma_start3A_15 = arith.constant 0 : i32
    %dma_start3A_16 = tpu.memref_slice %arg7[%dma_start3A_14, %dma_start3A_15] : memref<160x128xi32, #tpu.memory_space<vmem>> -> memref<1x128xi32, #tpu.memory_space<vmem>>
    %dma_start3A_17 = tpu.memref_squeeze %dma_start3A_16 : memref<1x128xi32, #tpu.memory_space<vmem>> -> memref<128xi32, #tpu.memory_space<vmem>>
    %dma_start3A_18 = arith.constant 0 : i32
    %dma_start3A_19 = arith.constant 0 : i32
    %dma_start3A_20 = tpu.memref_slice %arg2[%dma_start3A_18, %dma_start3A_19] : memref<20480x64xf32, #tpu.memory_space<hbm>> -> memref<20480x64xf32, #tpu.memory_space<hbm>>
    tpu.enqueue_indirect_dma source(%dma_start3A_20 : memref<20480x64xf32, #tpu.memory_space<hbm>>) target(%arg10 : memref<128x64xf32, #tpu.memory_space<vmem>>) offsets(%dma_start3A_17 : memref<128xi32, #tpu.memory_space<vmem>>) semaphore(%arg15 : memref<!tpu.dma_semaphore, #tpu.memory_space<semaphore_mem>>)
    %dma_start3A_21 = arith.constant 2 : i32
    %dma_start3A_22 = arith.constant 0 : i32
    %dma_start3A_23 = tpu.memref_slice %arg7[%dma_start3A_21, %dma_start3A_22] : memref<160x128xi32, #tpu.memory_space<vmem>> -> memref<1x128xi32, #tpu.memory_space<vmem>>
    %dma_start3A_24 = tpu.memref_squeeze %dma_start3A_23 : memref<1x128xi32, #tpu.memory_space<vmem>> -> memref<128xi32, #tpu.memory_space<vmem>>
    %dma_start3A_25 = arith.constant 0 : i32
    %dma_start3A_26 = arith.constant 0 : i32
    %dma_start3A_27 = tpu.memref_slice %arg2[%dma_start3A_25, %dma_start3A_26] : memref<20480x64xf32, #tpu.memory_space<hbm>> -> memref<20480x64xf32, #tpu.memory_space<hbm>>
    tpu.enqueue_indirect_dma source(%dma_start3A_27 : memref<20480x64xf32, #tpu.memory_space<hbm>>) target(%arg11 : memref<128x64xf32, #tpu.memory_space<vmem>>) offsets(%dma_start3A_24 : memref<128xi32, #tpu.memory_space<vmem>>) semaphore(%arg16 : memref<!tpu.dma_semaphore, #tpu.memory_space<semaphore_mem>>)
    %dma_wait3A = arith.constant 0 : i32
    %dma_wait3A_28 = arith.constant 0 : i32
    %dma_wait3A_29 = tpu.memref_slice %arg7[%dma_wait3A, %dma_wait3A_28] : memref<160x128xi32, #tpu.memory_space<vmem>> -> memref<1x128xi32, #tpu.memory_space<vmem>>
    %dma_wait3A_30 = tpu.memref_squeeze %dma_wait3A_29 : memref<1x128xi32, #tpu.memory_space<vmem>> -> memref<128xi32, #tpu.memory_space<vmem>>
    %dma_wait3A_31 = arith.constant 0 : i32
    %dma_wait3A_32 = arith.constant 0 : i32
    %dma_wait3A_33 = tpu.memref_slice %arg2[%dma_wait3A_31, %dma_wait3A_32] : memref<20480x64xf32, #tpu.memory_space<hbm>> -> memref<20480x64xf32, #tpu.memory_space<hbm>>
    tpu.wait_indirect_dma semaphore(%arg14 : memref<!tpu.dma_semaphore, #tpu.memory_space<semaphore_mem>>) src(%dma_wait3A_33 : memref<20480x64xf32, #tpu.memory_space<hbm>>) dst(%arg9 : memref<128x64xf32, #tpu.memory_space<vmem>>)
    %dma_start3A_34 = arith.constant 0 : i32
    %dma_start3A_35 = arith.constant 0 : i32
    %dma_start3A_36 = tpu.memref_slice %arg8[%dma_start3A_34, %dma_start3A_35] : memref<160x128xi32, #tpu.memory_space<vmem>> -> memref<1x128xi32, #tpu.memory_space<vmem>>
    %dma_start3A_37 = tpu.memref_squeeze %dma_start3A_36 : memref<1x128xi32, #tpu.memory_space<vmem>> -> memref<128xi32, #tpu.memory_space<vmem>>
    %dma_start3A_38 = arith.constant 0 : i32
    %dma_start3A_39 = arith.constant 0 : i32
    %dma_start3A_40 = tpu.memref_slice %arg13[%dma_start3A_38, %dma_start3A_39] : memref<10240x64xf32, #tpu.memory_space<vmem_shared>> -> memref<10240x64xf32, #tpu.memory_space<vmem_shared>>
    tpu.enqueue_indirect_dma source(%arg9 : memref<128x64xf32, #tpu.memory_space<vmem>>) target(%dma_start3A_40 : memref<10240x64xf32, #tpu.memory_space<vmem_shared>>) offsets(%dma_start3A_37 : memref<128xi32, #tpu.memory_space<vmem>>) semaphore(%arg18 : memref<!tpu.dma_semaphore, #tpu.memory_space<semaphore_mem>>) {add = true}
    %dma_start3A_41 = arith.constant 3 : i32
    %dma_start3A_42 = arith.constant 0 : i32
    %dma_start3A_43 = tpu.memref_slice %arg7[%dma_start3A_41, %dma_start3A_42] : memref<160x128xi32, #tpu.memory_space<vmem>> -> memref<1x128xi32, #tpu.memory_space<vmem>>
    %dma_start3A_44 = tpu.memref_squeeze %dma_start3A_43 : memref<1x128xi32, #tpu.memory_space<vmem>> -> memref<128xi32, #tpu.memory_space<vmem>>
    %dma_start3A_45 = arith.constant 0 : i32
    %dma_start3A_46 = arith.constant 0 : i32
    %dma_start3A_47 = tpu.memref_slice %arg2[%dma_start3A_45, %dma_start3A_46] : memref<20480x64xf32, #tpu.memory_space<hbm>> -> memref<20480x64xf32, #tpu.memory_space<hbm>>
    tpu.enqueue_indirect_dma source(%dma_start3A_47 : memref<20480x64xf32, #tpu.memory_space<hbm>>) target(%arg12 : memref<128x64xf32, #tpu.memory_space<vmem>>) offsets(%dma_start3A_44 : memref<128xi32, #tpu.memory_space<vmem>>) semaphore(%arg17 : memref<!tpu.dma_semaphore, #tpu.memory_space<semaphore_mem>>)
    %dma_wait3A_48 = arith.constant 1 : i32
    %dma_wait3A_49 = arith.constant 0 : i32
    %dma_wait3A_50 = tpu.memref_slice %arg7[%dma_wait3A_48, %dma_wait3A_49] : memref<160x128xi32, #tpu.memory_space<vmem>> -> memref<1x128xi32, #tpu.memory_space<vmem>>
    %dma_wait3A_51 = tpu.memref_squeeze %dma_wait3A_50 : memref<1x128xi32, #tpu.memory_space<vmem>> -> memref<128xi32, #tpu.memory_space<vmem>>
    %dma_wait3A_52 = arith.constant 0 : i32
    %dma_wait3A_53 = arith.constant 0 : i32
    %dma_wait3A_54 = tpu.memref_slice %arg2[%dma_wait3A_52, %dma_wait3A_53] : memref<20480x64xf32, #tpu.memory_space<hbm>> -> memref<20480x64xf32, #tpu.memory_space<hbm>>
    tpu.wait_indirect_dma semaphore(%arg15 : memref<!tpu.dma_semaphore, #tpu.memory_space<semaphore_mem>>) src(%dma_wait3A_54 : memref<20480x64xf32, #tpu.memory_space<hbm>>) dst(%arg10 : memref<128x64xf32, #tpu.memory_space<vmem>>)
    %dma_start3A_55 = arith.constant 1 : i32
    %dma_start3A_56 = arith.constant 0 : i32
    %dma_start3A_57 = tpu.memref_slice %arg8[%dma_start3A_55, %dma_start3A_56] : memref<160x128xi32, #tpu.memory_space<vmem>> -> memref<1x128xi32, #tpu.memory_space<vmem>>
    %dma_start3A_58 = tpu.memref_squeeze %dma_start3A_57 : memref<1x128xi32, #tpu.memory_space<vmem>> -> memref<128xi32, #tpu.memory_space<vmem>>
    %dma_start3A_59 = arith.constant 0 : i32
    %dma_start3A_60 = arith.constant 0 : i32
    %dma_start3A_61 = tpu.memref_slice %arg13[%dma_start3A_59, %dma_start3A_60] : memref<10240x64xf32, #tpu.memory_space<vmem_shared>> -> memref<10240x64xf32, #tpu.memory_space<vmem_shared>>
    tpu.enqueue_indirect_dma source(%arg10 : memref<128x64xf32, #tpu.memory_space<vmem>>) target(%dma_start3A_61 : memref<10240x64xf32, #tpu.memory_space<vmem_shared>>) offsets(%dma_start3A_58 : memref<128xi32, #tpu.memory_space<vmem>>) semaphore(%arg19 : memref<!tpu.dma_semaphore, #tpu.memory_space<semaphore_mem>>) {add = true}
    %scan3A = arith.constant 0 : i32
    %scan3A_62 = arith.constant 0 : i32
    %scan3A_63 = arith.constant 39 : i32
    %scan3A_64 = arith.addi %scan3A_62, %scan3A_63 : i32
    %scan3A_65 = arith.constant 1 : i32
    scf.for %scan3A_124 = %scan3A_62 to %scan3A_64 step %scan3A_65  : i32 {
      %mul3A_125 = arith.constant 4 : i32
      %mul3A_126 = arith.muli %scan3A_124, %mul3A_125 : i32
      %add3A_127 = arith.constant 2 : i32
      %add3A_128 = arith.addi %add3A_127, %mul3A_126 : i32
      %add3A_129 = arith.constant 0 : i32
      %add3A_130 = arith.addi %add3A_128, %add3A_129 : i32
      %sub3A = arith.constant 2 : i32
      %sub3A_131 = arith.subi %add3A_130, %sub3A : i32
      %dma_wait3A_132 = arith.constant 0 : i32
      %dma_wait3A_133 = tpu.memref_slice %arg8[%sub3A_131, %dma_wait3A_132] : memref<160x128xi32, #tpu.memory_space<vmem>> -> memref<1x128xi32, #tpu.memory_space<vmem>>
      %dma_wait3A_134 = tpu.memref_squeeze %dma_wait3A_133 : memref<1x128xi32, #tpu.memory_space<vmem>> -> memref<128xi32, #tpu.memory_space<vmem>>
      %dma_wait3A_135 = arith.constant 0 : i32
      %dma_wait3A_136 = arith.constant 0 : i32
      %dma_wait3A_137 = tpu.memref_slice %arg13[%dma_wait3A_135, %dma_wait3A_136] : memref<10240x64xf32, #tpu.memory_space<vmem_shared>> -> memref<10240x64xf32, #tpu.memory_space<vmem_shared>>
      tpu.wait_indirect_dma semaphore(%arg18 : memref<!tpu.dma_semaphore, #tpu.memory_space<semaphore_mem>>) src(%arg9 : memref<128x64xf32, #tpu.memory_space<vmem>>) dst(%dma_wait3A_137 : memref<10240x64xf32, #tpu.memory_space<vmem_shared>>)
      %add3A_138 = arith.constant 2 : i32
      %add3A_139 = arith.addi %add3A_130, %add3A_138 : i32
      %dma_start3A_140 = arith.constant 0 : i32
      %dma_start3A_141 = tpu.memref_slice %arg7[%add3A_139, %dma_start3A_140] : memref<160x128xi32, #tpu.memory_space<vmem>> -> memref<1x128xi32, #tpu.memory_space<vmem>>
      %dma_start3A_142 = tpu.memref_squeeze %dma_start3A_141 : memref<1x128xi32, #tpu.memory_space<vmem>> -> memref<128xi32, #tpu.memory_space<vmem>>
      %dma_start3A_143 = arith.constant 0 : i32
      %dma_start3A_144 = arith.constant 0 : i32
      %dma_start3A_145 = tpu.memref_slice %arg2[%dma_start3A_143, %dma_start3A_144] : memref<20480x64xf32, #tpu.memory_space<hbm>> -> memref<20480x64xf32, #tpu.memory_space<hbm>>
      tpu.enqueue_indirect_dma source(%dma_start3A_145 : memref<20480x64xf32, #tpu.memory_space<hbm>>) target(%arg9 : memref<128x64xf32, #tpu.memory_space<vmem>>) offsets(%dma_start3A_142 : memref<128xi32, #tpu.memory_space<vmem>>) semaphore(%arg14 : memref<!tpu.dma_semaphore, #tpu.memory_space<semaphore_mem>>)
      %dma_wait3A_146 = arith.constant 0 : i32
      %dma_wait3A_147 = tpu.memref_slice %arg7[%add3A_130, %dma_wait3A_146] : memref<160x128xi32, #tpu.memory_space<vmem>> -> memref<1x128xi32, #tpu.memory_space<vmem>>
      %dma_wait3A_148 = tpu.memref_squeeze %dma_wait3A_147 : memref<1x128xi32, #tpu.memory_space<vmem>> -> memref<128xi32, #tpu.memory_space<vmem>>
      %dma_wait3A_149 = arith.constant 0 : i32
      %dma_wait3A_150 = arith.constant 0 : i32
      %dma_wait3A_151 = tpu.memref_slice %arg2[%dma_wait3A_149, %dma_wait3A_150] : memref<20480x64xf32, #tpu.memory_space<hbm>> -> memref<20480x64xf32, #tpu.memory_space<hbm>>
      tpu.wait_indirect_dma semaphore(%arg16 : memref<!tpu.dma_semaphore, #tpu.memory_space<semaphore_mem>>) src(%dma_wait3A_151 : memref<20480x64xf32, #tpu.memory_space<hbm>>) dst(%arg11 : memref<128x64xf32, #tpu.memory_space<vmem>>)
      %dma_start3A_152 = arith.constant 0 : i32
      %dma_start3A_153 = tpu.memref_slice %arg8[%add3A_130, %dma_start3A_152] : memref<160x128xi32, #tpu.memory_space<vmem>> -> memref<1x128xi32, #tpu.memory_space<vmem>>
      %dma_start3A_154 = tpu.memref_squeeze %dma_start3A_153 : memref<1x128xi32, #tpu.memory_space<vmem>> -> memref<128xi32, #tpu.memory_space<vmem>>
      %dma_start3A_155 = arith.constant 0 : i32
      %dma_start3A_156 = arith.constant 0 : i32
      %dma_start3A_157 = tpu.memref_slice %arg13[%dma_start3A_155, %dma_start3A_156] : memref<10240x64xf32, #tpu.memory_space<vmem_shared>> -> memref<10240x64xf32, #tpu.memory_space<vmem_shared>>
      tpu.enqueue_indirect_dma source(%arg11 : memref<128x64xf32, #tpu.memory_space<vmem>>) target(%dma_start3A_157 : memref<10240x64xf32, #tpu.memory_space<vmem_shared>>) offsets(%dma_start3A_154 : memref<128xi32, #tpu.memory_space<vmem>>) semaphore(%arg20 : memref<!tpu.dma_semaphore, #tpu.memory_space<semaphore_mem>>) {add = true}
      %add3A_158 = arith.constant 1 : i32
      %add3A_159 = arith.addi %add3A_128, %add3A_158 : i32
      %sub3A_160 = arith.constant 2 : i32
      %sub3A_161 = arith.subi %add3A_159, %sub3A_160 : i32
      %dma_wait3A_162 = arith.constant 0 : i32
      %dma_wait3A_163 = tpu.memref_slice %arg8[%sub3A_161, %dma_wait3A_162] : memref<160x128xi32, #tpu.memory_space<vmem>> -> memref<1x128xi32, #tpu.memory_space<vmem>>
      %dma_wait3A_164 = tpu.memref_squeeze %dma_wait3A_163 : memref<1x128xi32, #tpu.memory_space<vmem>> -> memref<128xi32, #tpu.memory_space<vmem>>
      %dma_wait3A_165 = arith.constant 0 : i32
      %dma_wait3A_166 = arith.constant 0 : i32
      %dma_wait3A_167 = tpu.memref_slice %arg13[%dma_wait3A_165, %dma_wait3A_166] : memref<10240x64xf32, #tpu.memory_space<vmem_shared>> -> memref<10240x64xf32, #tpu.memory_space<vmem_shared>>
      tpu.wait_indirect_dma semaphore(%arg19 : memref<!tpu.dma_semaphore, #tpu.memory_space<semaphore_mem>>) src(%arg10 : memref<128x64xf32, #tpu.memory_space<vmem>>) dst(%dma_wait3A_167 : memref<10240x64xf32, #tpu.memory_space<vmem_shared>>)
      %add3A_168 = arith.constant 2 : i32
      %add3A_169 = arith.addi %add3A_159, %add3A_168 : i32
      %dma_start3A_170 = arith.constant 0 : i32
      %dma_start3A_171 = tpu.memref_slice %arg7[%add3A_169, %dma_start3A_170] : memref<160x128xi32, #tpu.memory_space<vmem>> -> memref<1x128xi32, #tpu.memory_space<vmem>>
      %dma_start3A_172 = tpu.memref_squeeze %dma_start3A_171 : memref<1x128xi32, #tpu.memory_space<vmem>> -> memref<128xi32, #tpu.memory_space<vmem>>
      %dma_start3A_173 = arith.constant 0 : i32
      %dma_start3A_174 = arith.constant 0 : i32
      %dma_start3A_175 = tpu.memref_slice %arg2[%dma_start3A_173, %dma_start3A_174] : memref<20480x64xf32, #tpu.memory_space<hbm>> -> memref<20480x64xf32, #tpu.memory_space<hbm>>
      tpu.enqueue_indirect_dma source(%dma_start3A_175 : memref<20480x64xf32, #tpu.memory_space<hbm>>) target(%arg10 : memref<128x64xf32, #tpu.memory_space<vmem>>) offsets(%dma_start3A_172 : memref<128xi32, #tpu.memory_space<vmem>>) semaphore(%arg15 : memref<!tpu.dma_semaphore, #tpu.memory_space<semaphore_mem>>)
      %dma_wait3A_176 = arith.constant 0 : i32
      %dma_wait3A_177 = tpu.memref_slice %arg7[%add3A_159, %dma_wait3A_176] : memref<160x128xi32, #tpu.memory_space<vmem>> -> memref<1x128xi32, #tpu.memory_space<vmem>>
      %dma_wait3A_178 = tpu.memref_squeeze %dma_wait3A_177 : memref<1x128xi32, #tpu.memory_space<vmem>> -> memref<128xi32, #tpu.memory_space<vmem>>
      %dma_wait3A_179 = arith.constant 0 : i32
      %dma_wait3A_180 = arith.constant 0 : i32
      %dma_wait3A_181 = tpu.memref_slice %arg2[%dma_wait3A_179, %dma_wait3A_180] : memref<20480x64xf32, #tpu.memory_space<hbm>> -> memref<20480x64xf32, #tpu.memory_space<hbm>>
      tpu.wait_indirect_dma semaphore(%arg17 : memref<!tpu.dma_semaphore, #tpu.memory_space<semaphore_mem>>) src(%dma_wait3A_181 : memref<20480x64xf32, #tpu.memory_space<hbm>>) dst(%arg12 : memref<128x64xf32, #tpu.memory_space<vmem>>)
      %dma_start3A_182 = arith.constant 0 : i32
      %dma_start3A_183 = tpu.memref_slice %arg8[%add3A_159, %dma_start3A_182] : memref<160x128xi32, #tpu.memory_space<vmem>> -> memref<1x128xi32, #tpu.memory_space<vmem>>
      %dma_start3A_184 = tpu.memref_squeeze %dma_start3A_183 : memref<1x128xi32, #tpu.memory_space<vmem>> -> memref<128xi32, #tpu.memory_space<vmem>>
      %dma_start3A_185 = arith.constant 0 : i32
      %dma_start3A_186 = arith.constant 0 : i32
      %dma_start3A_187 = tpu.memref_slice %arg13[%dma_start3A_185, %dma_start3A_186] : memref<10240x64xf32, #tpu.memory_space<vmem_shared>> -> memref<10240x64xf32, #tpu.memory_space<vmem_shared>>
      tpu.enqueue_indirect_dma source(%arg12 : memref<128x64xf32, #tpu.memory_space<vmem>>) target(%dma_start3A_187 : memref<10240x64xf32, #tpu.memory_space<vmem_shared>>) offsets(%dma_start3A_184 : memref<128xi32, #tpu.memory_space<vmem>>) semaphore(%arg21 : memref<!tpu.dma_semaphore, #tpu.memory_space<semaphore_mem>>) {add = true}
      %add3A_188 = arith.constant 2 : i32
      %add3A_189 = arith.addi %add3A_128, %add3A_188 : i32
      %sub3A_190 = arith.constant 2 : i32
      %sub3A_191 = arith.subi %add3A_189, %sub3A_190 : i32
      %dma_wait3A_192 = arith.constant 0 : i32
      %dma_wait3A_193 = tpu.memref_slice %arg8[%sub3A_191, %dma_wait3A_192] : memref<160x128xi32, #tpu.memory_space<vmem>> -> memref<1x128xi32, #tpu.memory_space<vmem>>
      %dma_wait3A_194 = tpu.memref_squeeze %dma_wait3A_193 : memref<1x128xi32, #tpu.memory_space<vmem>> -> memref<128xi32, #tpu.memory_space<vmem>>
      %dma_wait3A_195 = arith.constant 0 : i32
      %dma_wait3A_196 = arith.constant 0 : i32
      %dma_wait3A_197 = tpu.memref_slice %arg13[%dma_wait3A_195, %dma_wait3A_196] : memref<10240x64xf32, #tpu.memory_space<vmem_shared>> -> memref<10240x64xf32, #tpu.memory_space<vmem_shared>>
      tpu.wait_indirect_dma semaphore(%arg20 : memref<!tpu.dma_semaphore, #tpu.memory_space<semaphore_mem>>) src(%arg11 : memref<128x64xf32, #tpu.memory_space<vmem>>) dst(%dma_wait3A_197 : memref<10240x64xf32, #tpu.memory_space<vmem_shared>>)
      %add3A_198 = arith.constant 2 : i32
      %add3A_199 = arith.addi %add3A_189, %add3A_198 : i32
      %dma_start3A_200 = arith.constant 0 : i32
      %dma_start3A_201 = tpu.memref_slice %arg7[%add3A_199, %dma_start3A_200] : memref<160x128xi32, #tpu.memory_space<vmem>> -> memref<1x128xi32, #tpu.memory_space<vmem>>
      %dma_start3A_202 = tpu.memref_squeeze %dma_start3A_201 : memref<1x128xi32, #tpu.memory_space<vmem>> -> memref<128xi32, #tpu.memory_space<vmem>>
      %dma_start3A_203 = arith.constant 0 : i32
      %dma_start3A_204 = arith.constant 0 : i32
      %dma_start3A_205 = tpu.memref_slice %arg2[%dma_start3A_203, %dma_start3A_204] : memref<20480x64xf32, #tpu.memory_space<hbm>> -> memref<20480x64xf32, #tpu.memory_space<hbm>>
      tpu.enqueue_indirect_dma source(%dma_start3A_205 : memref<20480x64xf32, #tpu.memory_space<hbm>>) target(%arg11 : memref<128x64xf32, #tpu.memory_space<vmem>>) offsets(%dma_start3A_202 : memref<128xi32, #tpu.memory_space<vmem>>) semaphore(%arg16 : memref<!tpu.dma_semaphore, #tpu.memory_space<semaphore_mem>>)
      %dma_wait3A_206 = arith.constant 0 : i32
      %dma_wait3A_207 = tpu.memref_slice %arg7[%add3A_189, %dma_wait3A_206] : memref<160x128xi32, #tpu.memory_space<vmem>> -> memref<1x128xi32, #tpu.memory_space<vmem>>
      %dma_wait3A_208 = tpu.memref_squeeze %dma_wait3A_207 : memref<1x128xi32, #tpu.memory_space<vmem>> -> memref<128xi32, #tpu.memory_space<vmem>>
      %dma_wait3A_209 = arith.constant 0 : i32
      %dma_wait3A_210 = arith.constant 0 : i32
      %dma_wait3A_211 = tpu.memref_slice %arg2[%dma_wait3A_209, %dma_wait3A_210] : memref<20480x64xf32, #tpu.memory_space<hbm>> -> memref<20480x64xf32, #tpu.memory_space<hbm>>
      tpu.wait_indirect_dma semaphore(%arg14 : memref<!tpu.dma_semaphore, #tpu.memory_space<semaphore_mem>>) src(%dma_wait3A_211 : memref<20480x64xf32, #tpu.memory_space<hbm>>) dst(%arg9 : memref<128x64xf32, #tpu.memory_space<vmem>>)
      %dma_start3A_212 = arith.constant 0 : i32
      %dma_start3A_213 = tpu.memref_slice %arg8[%add3A_189, %dma_start3A_212] : memref<160x128xi32, #tpu.memory_space<vmem>> -> memref<1x128xi32, #tpu.memory_space<vmem>>
      %dma_start3A_214 = tpu.memref_squeeze %dma_start3A_213 : memref<1x128xi32, #tpu.memory_space<vmem>> -> memref<128xi32, #tpu.memory_space<vmem>>
      %dma_start3A_215 = arith.constant 0 : i32
      %dma_start3A_216 = arith.constant 0 : i32
      %dma_start3A_217 = tpu.memref_slice %arg13[%dma_start3A_215, %dma_start3A_216] : memref<10240x64xf32, #tpu.memory_space<vmem_shared>> -> memref<10240x64xf32, #tpu.memory_space<vmem_shared>>
      tpu.enqueue_indirect_dma source(%arg9 : memref<128x64xf32, #tpu.memory_space<vmem>>) target(%dma_start3A_217 : memref<10240x64xf32, #tpu.memory_space<vmem_shared>>) offsets(%dma_start3A_214 : memref<128xi32, #tpu.memory_space<vmem>>) semaphore(%arg18 : memref<!tpu.dma_semaphore, #tpu.memory_space<semaphore_mem>>) {add = true}
      %add3A_218 = arith.constant 3 : i32
      %add3A_219 = arith.addi %add3A_128, %add3A_218 : i32
      %sub3A_220 = arith.constant 2 : i32
      %sub3A_221 = arith.subi %add3A_219, %sub3A_220 : i32
      %dma_wait3A_222 = arith.constant 0 : i32
      %dma_wait3A_223 = tpu.memref_slice %arg8[%sub3A_221, %dma_wait3A_222] : memref<160x128xi32, #tpu.memory_space<vmem>> -> memref<1x128xi32, #tpu.memory_space<vmem>>
      %dma_wait3A_224 = tpu.memref_squeeze %dma_wait3A_223 : memref<1x128xi32, #tpu.memory_space<vmem>> -> memref<128xi32, #tpu.memory_space<vmem>>
      %dma_wait3A_225 = arith.constant 0 : i32
      %dma_wait3A_226 = arith.constant 0 : i32
      %dma_wait3A_227 = tpu.memref_slice %arg13[%dma_wait3A_225, %dma_wait3A_226] : memref<10240x64xf32, #tpu.memory_space<vmem_shared>> -> memref<10240x64xf32, #tpu.memory_space<vmem_shared>>
      tpu.wait_indirect_dma semaphore(%arg21 : memref<!tpu.dma_semaphore, #tpu.memory_space<semaphore_mem>>) src(%arg12 : memref<128x64xf32, #tpu.memory_space<vmem>>) dst(%dma_wait3A_227 : memref<10240x64xf32, #tpu.memory_space<vmem_shared>>)
      %add3A_228 = arith.constant 2 : i32
      %add3A_229 = arith.addi %add3A_219, %add3A_228 : i32
      %dma_start3A_230 = arith.constant 0 : i32
      %dma_start3A_231 = tpu.memref_slice %arg7[%add3A_229, %dma_start3A_230] : memref<160x128xi32, #tpu.memory_space<vmem>> -> memref<1x128xi32, #tpu.memory_space<vmem>>
      %dma_start3A_232 = tpu.memref_squeeze %dma_start3A_231 : memref<1x128xi32, #tpu.memory_space<vmem>> -> memref<128xi32, #tpu.memory_space<vmem>>
      %dma_start3A_233 = arith.constant 0 : i32
      %dma_start3A_234 = arith.constant 0 : i32
      %dma_start3A_235 = tpu.memref_slice %arg2[%dma_start3A_233, %dma_start3A_234] : memref<20480x64xf32, #tpu.memory_space<hbm>> -> memref<20480x64xf32, #tpu.memory_space<hbm>>
      tpu.enqueue_indirect_dma source(%dma_start3A_235 : memref<20480x64xf32, #tpu.memory_space<hbm>>) target(%arg12 : memref<128x64xf32, #tpu.memory_space<vmem>>) offsets(%dma_start3A_232 : memref<128xi32, #tpu.memory_space<vmem>>) semaphore(%arg17 : memref<!tpu.dma_semaphore, #tpu.memory_space<semaphore_mem>>)
      %dma_wait3A_236 = arith.constant 0 : i32
      %dma_wait3A_237 = tpu.memref_slice %arg7[%add3A_219, %dma_wait3A_236] : memref<160x128xi32, #tpu.memory_space<vmem>> -> memref<1x128xi32, #tpu.memory_space<vmem>>
      %dma_wait3A_238 = tpu.memref_squeeze %dma_wait3A_237 : memref<1x128xi32, #tpu.memory_space<vmem>> -> memref<128xi32, #tpu.memory_space<vmem>>
      %dma_wait3A_239 = arith.constant 0 : i32
      %dma_wait3A_240 = arith.constant 0 : i32
      %dma_wait3A_241 = tpu.memref_slice %arg2[%dma_wait3A_239, %dma_wait3A_240] : memref<20480x64xf32, #tpu.memory_space<hbm>> -> memref<20480x64xf32, #tpu.memory_space<hbm>>
      tpu.wait_indirect_dma semaphore(%arg15 : memref<!tpu.dma_semaphore, #tpu.memory_space<semaphore_mem>>) src(%dma_wait3A_241 : memref<20480x64xf32, #tpu.memory_space<hbm>>) dst(%arg10 : memref<128x64xf32, #tpu.memory_space<vmem>>)
      %dma_start3A_242 = arith.constant 0 : i32
      %dma_start3A_243 = tpu.memref_slice %arg8[%add3A_219, %dma_start3A_242] : memref<160x128xi32, #tpu.memory_space<vmem>> -> memref<1x128xi32, #tpu.memory_space<vmem>>
      %dma_start3A_244 = tpu.memref_squeeze %dma_start3A_243 : memref<1x128xi32, #tpu.memory_space<vmem>> -> memref<128xi32, #tpu.memory_space<vmem>>
      %dma_start3A_245 = arith.constant 0 : i32
      %dma_start3A_246 = arith.constant 0 : i32
      %dma_start3A_247 = tpu.memref_slice %arg13[%dma_start3A_245, %dma_start3A_246] : memref<10240x64xf32, #tpu.memory_space<vmem_shared>> -> memref<10240x64xf32, #tpu.memory_space<vmem_shared>>
      tpu.enqueue_indirect_dma source(%arg10 : memref<128x64xf32, #tpu.memory_space<vmem>>) target(%dma_start3A_247 : memref<10240x64xf32, #tpu.memory_space<vmem_shared>>) offsets(%dma_start3A_244 : memref<128xi32, #tpu.memory_space<vmem>>) semaphore(%arg19 : memref<!tpu.dma_semaphore, #tpu.memory_space<semaphore_mem>>) {add = true}
    }
    %scan3A_66 = arith.constant 39 : i32
    %dma_wait3A_67 = arith.constant 158 : i32
    %dma_wait3A_68 = arith.constant 0 : i32
    %dma_wait3A_69 = tpu.memref_slice %arg7[%dma_wait3A_67, %dma_wait3A_68] : memref<160x128xi32, #tpu.memory_space<vmem>> -> memref<1x128xi32, #tpu.memory_space<vmem>>
    %dma_wait3A_70 = tpu.memref_squeeze %dma_wait3A_69 : memref<1x128xi32, #tpu.memory_space<vmem>> -> memref<128xi32, #tpu.memory_space<vmem>>
    %dma_wait3A_71 = arith.constant 0 : i32
    %dma_wait3A_72 = arith.constant 0 : i32
    %dma_wait3A_73 = tpu.memref_slice %arg2[%dma_wait3A_71, %dma_wait3A_72] : memref<20480x64xf32, #tpu.memory_space<hbm>> -> memref<20480x64xf32, #tpu.memory_space<hbm>>
    tpu.wait_indirect_dma semaphore(%arg16 : memref<!tpu.dma_semaphore, #tpu.memory_space<semaphore_mem>>) src(%dma_wait3A_73 : memref<20480x64xf32, #tpu.memory_space<hbm>>) dst(%arg11 : memref<128x64xf32, #tpu.memory_space<vmem>>)
    %dma_start3A_74 = arith.constant 158 : i32
    %dma_start3A_75 = arith.constant 0 : i32
    %dma_start3A_76 = tpu.memref_slice %arg8[%dma_start3A_74, %dma_start3A_75] : memref<160x128xi32, #tpu.memory_space<vmem>> -> memref<1x128xi32, #tpu.memory_space<vmem>>
    %dma_start3A_77 = tpu.memref_squeeze %dma_start3A_76 : memref<1x128xi32, #tpu.memory_space<vmem>> -> memref<128xi32, #tpu.memory_space<vmem>>
    %dma_start3A_78 = arith.constant 0 : i32
    %dma_start3A_79 = arith.constant 0 : i32
    %dma_start3A_80 = tpu.memref_slice %arg13[%dma_start3A_78, %dma_start3A_79] : memref<10240x64xf32, #tpu.memory_space<vmem_shared>> -> memref<10240x64xf32, #tpu.memory_space<vmem_shared>>
    tpu.enqueue_indirect_dma source(%arg11 : memref<128x64xf32, #tpu.memory_space<vmem>>) target(%dma_start3A_80 : memref<10240x64xf32, #tpu.memory_space<vmem_shared>>) offsets(%dma_start3A_77 : memref<128xi32, #tpu.memory_space<vmem>>) semaphore(%arg20 : memref<!tpu.dma_semaphore, #tpu.memory_space<semaphore_mem>>) {add = true}
    %dma_wait3A_81 = arith.constant 159 : i32
    %dma_wait3A_82 = arith.constant 0 : i32
    %dma_wait3A_83 = tpu.memref_slice %arg7[%dma_wait3A_81, %dma_wait3A_82] : memref<160x128xi32, #tpu.memory_space<vmem>> -> memref<1x128xi32, #tpu.memory_space<vmem>>
    %dma_wait3A_84 = tpu.memref_squeeze %dma_wait3A_83 : memref<1x128xi32, #tpu.memory_space<vmem>> -> memref<128xi32, #tpu.memory_space<vmem>>
    %dma_wait3A_85 = arith.constant 0 : i32
    %dma_wait3A_86 = arith.constant 0 : i32
    %dma_wait3A_87 = tpu.memref_slice %arg2[%dma_wait3A_85, %dma_wait3A_86] : memref<20480x64xf32, #tpu.memory_space<hbm>> -> memref<20480x64xf32, #tpu.memory_space<hbm>>
    tpu.wait_indirect_dma semaphore(%arg17 : memref<!tpu.dma_semaphore, #tpu.memory_space<semaphore_mem>>) src(%dma_wait3A_87 : memref<20480x64xf32, #tpu.memory_space<hbm>>) dst(%arg12 : memref<128x64xf32, #tpu.memory_space<vmem>>)
    %dma_start3A_88 = arith.constant 159 : i32
    %dma_start3A_89 = arith.constant 0 : i32
    %dma_start3A_90 = tpu.memref_slice %arg8[%dma_start3A_88, %dma_start3A_89] : memref<160x128xi32, #tpu.memory_space<vmem>> -> memref<1x128xi32, #tpu.memory_space<vmem>>
    %dma_start3A_91 = tpu.memref_squeeze %dma_start3A_90 : memref<1x128xi32, #tpu.memory_space<vmem>> -> memref<128xi32, #tpu.memory_space<vmem>>
    %dma_start3A_92 = arith.constant 0 : i32
    %dma_start3A_93 = arith.constant 0 : i32
    %dma_start3A_94 = tpu.memref_slice %arg13[%dma_start3A_92, %dma_start3A_93] : memref<10240x64xf32, #tpu.memory_space<vmem_shared>> -> memref<10240x64xf32, #tpu.memory_space<vmem_shared>>
    tpu.enqueue_indirect_dma source(%arg12 : memref<128x64xf32, #tpu.memory_space<vmem>>) target(%dma_start3A_94 : memref<10240x64xf32, #tpu.memory_space<vmem_shared>>) offsets(%dma_start3A_91 : memref<128xi32, #tpu.memory_space<vmem>>) semaphore(%arg21 : memref<!tpu.dma_semaphore, #tpu.memory_space<semaphore_mem>>) {add = true}
    %dma_wait3A_95 = arith.constant 156 : i32
    %dma_wait3A_96 = arith.constant 0 : i32
    %dma_wait3A_97 = tpu.memref_slice %arg8[%dma_wait3A_95, %dma_wait3A_96] : memref<160x128xi32, #tpu.memory_space<vmem>> -> memref<1x128xi32, #tpu.memory_space<vmem>>
    %dma_wait3A_98 = tpu.memref_squeeze %dma_wait3A_97 : memref<1x128xi32, #tpu.memory_space<vmem>> -> memref<128xi32, #tpu.memory_space<vmem>>
    %dma_wait3A_99 = arith.constant 0 : i32
    %dma_wait3A_100 = arith.constant 0 : i32
    %dma_wait3A_101 = tpu.memref_slice %arg13[%dma_wait3A_99, %dma_wait3A_100] : memref<10240x64xf32, #tpu.memory_space<vmem_shared>> -> memref<10240x64xf32, #tpu.memory_space<vmem_shared>>
    tpu.wait_indirect_dma semaphore(%arg18 : memref<!tpu.dma_semaphore, #tpu.memory_space<semaphore_mem>>) src(%arg9 : memref<128x64xf32, #tpu.memory_space<vmem>>) dst(%dma_wait3A_101 : memref<10240x64xf32, #tpu.memory_space<vmem_shared>>)
    %dma_wait3A_102 = arith.constant 157 : i32
    %dma_wait3A_103 = arith.constant 0 : i32
    %dma_wait3A_104 = tpu.memref_slice %arg8[%dma_wait3A_102, %dma_wait3A_103] : memref<160x128xi32, #tpu.memory_space<vmem>> -> memref<1x128xi32, #tpu.memory_space<vmem>>
    %dma_wait3A_105 = tpu.memref_squeeze %dma_wait3A_104 : memref<1x128xi32, #tpu.memory_space<vmem>> -> memref<128xi32, #tpu.memory_space<vmem>>
    %dma_wait3A_106 = arith.constant 0 : i32
    %dma_wait3A_107 = arith.constant 0 : i32
    %dma_wait3A_108 = tpu.memref_slice %arg13[%dma_wait3A_106, %dma_wait3A_107] : memref<10240x64xf32, #tpu.memory_space<vmem_shared>> -> memref<10240x64xf32, #tpu.memory_space<vmem_shared>>
    tpu.wait_indirect_dma semaphore(%arg19 : memref<!tpu.dma_semaphore, #tpu.memory_space<semaphore_mem>>) src(%arg10 : memref<128x64xf32, #tpu.memory_space<vmem>>) dst(%dma_wait3A_108 : memref<10240x64xf32, #tpu.memory_space<vmem_shared>>)
    %dma_wait3A_109 = arith.constant 158 : i32
    %dma_wait3A_110 = arith.constant 0 : i32
    %dma_wait3A_111 = tpu.memref_slice %arg8[%dma_wait3A_109, %dma_wait3A_110] : memref<160x128xi32, #tpu.memory_space<vmem>> -> memref<1x128xi32, #tpu.memory_space<vmem>>
    %dma_wait3A_112 = tpu.memref_squeeze %dma_wait3A_111 : memref<1x128xi32, #tpu.memory_space<vmem>> -> memref<128xi32, #tpu.memory_space<vmem>>
    %dma_wait3A_113 = arith.constant 0 : i32
    %dma_wait3A_114 = arith.constant 0 : i32
    %dma_wait3A_115 = tpu.memref_slice %arg13[%dma_wait3A_113, %dma_wait3A_114] : memref<10240x64xf32, #tpu.memory_space<vmem_shared>> -> memref<10240x64xf32, #tpu.memory_space<vmem_shared>>
    tpu.wait_indirect_dma semaphore(%arg20 : memref<!tpu.dma_semaphore, #tpu.memory_space<semaphore_mem>>) src(%arg11 : memref<128x64xf32, #tpu.memory_space<vmem>>) dst(%dma_wait3A_115 : memref<10240x64xf32, #tpu.memory_space<vmem_shared>>)
    %dma_wait3A_116 = arith.constant 159 : i32
    %dma_wait3A_117 = arith.constant 0 : i32
    %dma_wait3A_118 = tpu.memref_slice %arg8[%dma_wait3A_116, %dma_wait3A_117] : memref<160x128xi32, #tpu.memory_space<vmem>> -> memref<1x128xi32, #tpu.memory_space<vmem>>
    %dma_wait3A_119 = tpu.memref_squeeze %dma_wait3A_118 : memref<1x128xi32, #tpu.memory_space<vmem>> -> memref<128xi32, #tpu.memory_space<vmem>>
    %dma_wait3A_120 = arith.constant 0 : i32
    %dma_wait3A_121 = arith.constant 0 : i32
    %dma_wait3A_122 = tpu.memref_slice %arg13[%dma_wait3A_120, %dma_wait3A_121] : memref<10240x64xf32, #tpu.memory_space<vmem_shared>> -> memref<10240x64xf32, #tpu.memory_space<vmem_shared>>
    tpu.wait_indirect_dma semaphore(%arg21 : memref<!tpu.dma_semaphore, #tpu.memory_space<semaphore_mem>>) src(%arg12 : memref<128x64xf32, #tpu.memory_space<vmem>>) dst(%dma_wait3A_122 : memref<10240x64xf32, #tpu.memory_space<vmem_shared>>)
    %barrier3A_123 = arith.constant 0 : index
    tpu.barrier barrier_id(%barrier3A_123)
    "tpu.region"() ({
      %run_scoped3A = tpu.sem_alloc : memref<!tpu.dma_semaphore, #tpu.memory_space<semaphore_mem>>
      %dma_start3A_124 = arith.constant 0 : i32
      %dma_start3A_125 = tpu.memref_slice %arg6[%arg0, %mul3A_0, %dma_start3A_124] : memref<2x10240x64xf32, #tpu.memory_space<hbm>> -> memref<1x640x64xf32, #tpu.memory_space<hbm>>
      %dma_start3A_126 = tpu.memref_squeeze %dma_start3A_125 : memref<1x640x64xf32, #tpu.memory_space<hbm>> -> memref<640x64xf32, #tpu.memory_space<hbm>>
      %dma_start3A_127 = arith.constant 0 : i32
      %dma_start3A_128 = tpu.memref_slice %arg13[%mul3A_0, %dma_start3A_127] : memref<10240x64xf32, #tpu.memory_space<vmem_shared>> -> memref<640x64xf32, #tpu.memory_space<vmem_shared>>
      tpu.enqueue_dma source(%dma_start3A_128 : memref<640x64xf32, #tpu.memory_space<vmem_shared>>) target(%dma_start3A_126 : memref<640x64xf32, #tpu.memory_space<hbm>>) target_semaphore(%run_scoped3A : memref<!tpu.dma_semaphore, #tpu.memory_space<semaphore_mem>>)
      %dma_wait3A_129 = arith.constant 0 : i32
      %dma_wait3A_130 = tpu.memref_slice %arg6[%arg0, %mul3A_0, %dma_wait3A_129] : memref<2x10240x64xf32, #tpu.memory_space<hbm>> -> memref<1x640x64xf32, #tpu.memory_space<hbm>>
      %dma_wait3A_131 = tpu.memref_squeeze %dma_wait3A_130 : memref<1x640x64xf32, #tpu.memory_space<hbm>> -> memref<640x64xf32, #tpu.memory_space<hbm>>
      %dma_wait3A_132 = arith.constant 0 : i32
      %dma_wait3A_133 = tpu.memref_slice %arg13[%mul3A_0, %dma_wait3A_132] : memref<10240x64xf32, #tpu.memory_space<vmem_shared>> -> memref<640x64xf32, #tpu.memory_space<vmem_shared>>
      tpu.wait_dma2 semaphore(%run_scoped3A : memref<!tpu.dma_semaphore, #tpu.memory_space<semaphore_mem>>) src(%dma_wait3A_133 : memref<640x64xf32, #tpu.memory_space<vmem_shared>>) dst(%dma_wait3A_131 : memref<640x64xf32, #tpu.memory_space<hbm>>)
      tpu.yield
    }) : () -> ()
    return
  }
}

module attributes {stable_mosaic.version = 14 : i64} {
  func.func @_tc1_body(%arg0: i32, %arg1: memref<512x128xf32, #tpu.memory_space<vmem>>, %arg2: memref<128x128xf32, #tpu.memory_space<vmem>>, %arg3: memref<128x128xf32, #tpu.memory_space<vmem>>, %arg4: memref<2x512x64xf32, #tpu.memory_space<vmem>>, %arg5: memref<512x128xf32, #tpu.memory_space<vmem>>) attributes {dimension_semantics = [#tpu.dimension_semantics<arbitrary>], iteration_bounds = array<i64: 20>, scalar_prefetch = 0 : i64, scratch_operands = 0 : i64, tpu.core_type = #tpu.core_type<tc>, window_params = [{transform_indices = @transform_0, window_bounds = array<i64: 512, 128>}, {pipeline_mode = #tpu.pipeline_mode<synchronous>, transform_indices = @transform_1, window_bounds = array<i64: 128, 128>}, {pipeline_mode = #tpu.pipeline_mode<synchronous>, transform_indices = @transform_2, window_bounds = array<i64: 128, 128>}, {transform_indices = @transform_3, window_bounds = array<i64: 2, 512, 64>}, {transform_indices = @transform_4, window_bounds = array<i64: 512, 128>}]} {
    %get3A = arith.constant 0 : index
    %get3A_0 = arith.constant 0 : index
    %get3A_1 = vector.load %arg1[%get3A, %get3A_0] : memref<512x128xf32, #tpu.memory_space<vmem>>, vector<512x128xf32>
    %get3A_2 = arith.constant 0 : index
    %get3A_3 = arith.constant 0 : index
    %get3A_4 = vector.load %arg2[%get3A_2, %get3A_3] : memref<128x128xf32, #tpu.memory_space<vmem>>, vector<128x128xf32>
    %dot_general3A = arith.constant dense<0.000000e+00> : vector<512x128xf32>
    %dot_general3A_5 = tpu.matmul %get3A_1, %get3A_4, %dot_general3A {dimension_numbers = #tpu.dot_dimension_numbers<[1], [1], [0], [0], [0, 0, 1, 0], [], []>, transpose_lhs_hint = false} : vector<512x128xf32>, vector<128x128xf32>, vector<512x128xf32> -> vector<512x128xf32>
    %slice3A = vector.extract_strided_slice %dot_general3A_5 {offsets = [0, 0], sizes = [512, 64], strides = [1, 1]} : vector<512x128xf32> to vector<512x64xf32>
    %swap3A = arith.constant 0 : index
    %swap3A_6 = arith.constant 0 : index
    %swap3A_7 = arith.constant 0 : index
    %swap3A_8 = vector.load %arg4[%swap3A, %swap3A_6, %swap3A_7] : memref<2x512x64xf32, #tpu.memory_space<vmem>>, vector<1x512x64xf32>
    %swap3A_9 = vector.shape_cast %swap3A_8 : vector<1x512x64xf32> to vector<512x64xf32>
    %swap3A_10 = vector.shape_cast %slice3A : vector<512x64xf32> to vector<1x512x64xf32>
    tpu.vector_store %arg4[%swap3A, %swap3A_6, %swap3A_7], %swap3A_10 {strides = array<i32>} : memref<2x512x64xf32, #tpu.memory_space<vmem>>, vector<1x512x64xf32>,
    %slice3A_11 = vector.extract_strided_slice %dot_general3A_5 {offsets = [0, 64], sizes = [512, 64], strides = [1, 1]} : vector<512x128xf32> to vector<512x64xf32>
    %swap3A_12 = arith.constant 1 : index
    %swap3A_13 = arith.constant 0 : index
    %swap3A_14 = arith.constant 0 : index
    %swap3A_15 = vector.load %arg4[%swap3A_12, %swap3A_13, %swap3A_14] : memref<2x512x64xf32, #tpu.memory_space<vmem>>, vector<1x512x64xf32>
    %swap3A_16 = vector.shape_cast %swap3A_15 : vector<1x512x64xf32> to vector<512x64xf32>
    %swap3A_17 = vector.shape_cast %slice3A_11 : vector<512x64xf32> to vector<1x512x64xf32>
    tpu.vector_store %arg4[%swap3A_12, %swap3A_13, %swap3A_14], %swap3A_17 {strides = array<i32>} : memref<2x512x64xf32, #tpu.memory_space<vmem>>, vector<1x512x64xf32>,
    %get3A_18 = arith.constant 0 : index
    %get3A_19 = arith.constant 0 : index
    %get3A_20 = vector.load %arg3[%get3A_18, %get3A_19] : memref<128x128xf32, #tpu.memory_space<vmem>>, vector<128x128xf32>
    %dot_general3A_21 = arith.constant dense<0.000000e+00> : vector<512x128xf32>
    %dot_general3A_22 = tpu.matmul %get3A_1, %get3A_20, %dot_general3A_21 {dimension_numbers = #tpu.dot_dimension_numbers<[1], [1], [0], [0], [0, 0, 1, 0], [], []>, transpose_lhs_hint = false} : vector<512x128xf32>, vector<128x128xf32>, vector<512x128xf32> -> vector<512x128xf32>
    %swap3A_23 = arith.constant 0 : index
    %swap3A_24 = arith.constant 0 : index
    %swap3A_25 = vector.load %arg5[%swap3A_23, %swap3A_24] : memref<512x128xf32, #tpu.memory_space<vmem>>, vector<512x128xf32>
    tpu.vector_store %arg5[%swap3A_23, %swap3A_24], %dot_general3A_22 {strides = array<i32>} : memref<512x128xf32, #tpu.memory_space<vmem>>, vector<512x128xf32>,
    return
  }
  func.func @transform_0(%arg0: i32) -> (i32, i32) {
    %c0_i32 = arith.constant 0 : i32
    %c0_i32_0 = arith.constant 0 : i32
    return %arg0, %c0_i32 : i32, i32
  }
  func.func @transform_1(%arg0: i32) -> (i32, i32) {
    %c0_i32 = arith.constant 0 : i32
    %c0_i32_0 = arith.constant 0 : i32
    %c0_i32_1 = arith.constant 0 : i32
    return %c0_i32, %c0_i32_0 : i32, i32
  }
  func.func @transform_2(%arg0: i32) -> (i32, i32) {
    %c0_i32 = arith.constant 0 : i32
    %c0_i32_0 = arith.constant 0 : i32
    %c0_i32_1 = arith.constant 0 : i32
    return %c0_i32, %c0_i32_0 : i32, i32
  }
  func.func @transform_3(%arg0: i32) -> (i32, i32, i32) {
    %c0_i32 = arith.constant 0 : i32
    %c0_i32_0 = arith.constant 0 : i32
    %c0_i32_1 = arith.constant 0 : i32
    return %c0_i32, %arg0, %c0_i32_0 : i32, i32, i32
  }
  func.func @transform_4(%arg0: i32) -> (i32, i32) {
    %c0_i32 = arith.constant 0 : i32
    %c0_i32_0 = arith.constant 0 : i32
    return %arg0, %c0_i32 : i32, i32
  }
}

module attributes {stable_mosaic.version = 14 : i64} {
  func.func @_tc2_body(%arg0: i32, %arg1: memref<2x512x64xf32, #tpu.memory_space<vmem>>, %arg2: memref<32x512xf32, #tpu.memory_space<vmem>>, %arg3: memref<512x128xf32, #tpu.memory_space<vmem>>, %arg4: memref<1x128xf32, #tpu.memory_space<vmem>>, %arg5: memref<1x128xf32, #tpu.memory_space<vmem>>, %arg6: memref<128x128xf32, #tpu.memory_space<vmem>>, %arg7: memref<128x128xf32, #tpu.memory_space<vmem>>, %arg8: memref<2x512x64xf32, #tpu.memory_space<vmem>>, %arg9: memref<512x128xf32, #tpu.memory_space<vmem>>) attributes {dimension_semantics = [#tpu.dimension_semantics<arbitrary>], iteration_bounds = array<i64: 20>, scalar_prefetch = 0 : i64, scratch_operands = 0 : i64, tpu.core_type = #tpu.core_type<tc>, window_params = [{transform_indices = @transform_0, window_bounds = array<i64: 2, 512, 64>}, {transform_indices = @transform_1, window_bounds = array<i64: 32, 512>}, {transform_indices = @transform_2, window_bounds = array<i64: 512, 128>}, {pipeline_mode = #tpu.pipeline_mode<synchronous>, transform_indices = @transform_3, window_bounds = array<i64: 1, 128>}, {pipeline_mode = #tpu.pipeline_mode<synchronous>, transform_indices = @transform_4, window_bounds = array<i64: 1, 128>}, {pipeline_mode = #tpu.pipeline_mode<synchronous>, transform_indices = @transform_5, window_bounds = array<i64: 128, 128>}, {pipeline_mode = #tpu.pipeline_mode<synchronous>, transform_indices = @transform_6, window_bounds = array<i64: 128, 128>}, {transform_indices = @transform_7, window_bounds = array<i64: 2, 512, 64>}, {transform_indices = @transform_8, window_bounds = array<i64: 512, 128>}]} {
    %get3A = arith.constant 0 : index
    %get3A_0 = arith.constant 0 : index
    %get3A_1 = arith.constant 0 : index
    %get3A_2 = vector.load %arg1[%get3A, %get3A_0, %get3A_1] : memref<2x512x64xf32, #tpu.memory_space<vmem>>, vector<1x512x64xf32>
    %get3A_3 = vector.shape_cast %get3A_2 : vector<1x512x64xf32> to vector<512x64xf32>
    %get3A_4 = arith.constant 1 : index
    %get3A_5 = arith.constant 0 : index
    %get3A_6 = arith.constant 0 : index
    %get3A_7 = vector.load %arg1[%get3A_4, %get3A_5, %get3A_6] : memref<2x512x64xf32, #tpu.memory_space<vmem>>, vector<1x512x64xf32>
    %get3A_8 = vector.shape_cast %get3A_7 : vector<1x512x64xf32> to vector<512x64xf32>
    %concatenate3A = tpu.concatenate %get3A_3, %get3A_8 in 1 : vector<512x64xf32>, vector<512x64xf32> -> vector<512x128xf32>
    %get3A_9 = arith.constant 0 : index
    %get3A_10 = arith.constant 0 : index
    %get3A_11 = vector.load %arg2[%get3A_9, %get3A_10] : memref<32x512xf32, #tpu.memory_space<vmem>>, vector<32x512xf32>
    %transpose3A = tpu.transpose %get3A_11, [1, 0] : vector<32x512xf32> -> vector<512x32xf32>
    %reduce_sum3A = arith.constant dense<0.000000e+00> : vector<512xf32>
    %reduce_sum3A_12 = vector.multi_reduction <add>, %transpose3A, %reduce_sum3A [1] : vector<512x32xf32> to vector<512xf32>
    %broadcast_in_dim3A = vector.shape_cast %reduce_sum3A_12 : vector<512xf32> to vector<512x1xf32>
    %max3A = arith.constant 1.000000e+00 : f32
    %max3A_13 = vector.broadcast %max3A : f32 to vector<512x1xf32>
    %max3A_14 = arith.maximumf %broadcast_in_dim3A, %max3A_13 : vector<512x1xf32>
    %div3A = arith.constant 1.000000e+00 : f32
    %div3A_15 = vector.broadcast %div3A : f32 to vector<512x1xf32>
    %div3A_16 = arith.divf %div3A_15, %max3A_14 : vector<512x1xf32>
    %mul3A = vector.broadcast %div3A_16 : vector<512x1xf32> to vector<512x128xf32>
    %mul3A_17 = arith.mulf %concatenate3A, %mul3A : vector<512x128xf32>
    %get3A_18 = arith.constant 0 : index
    %get3A_19 = arith.constant 0 : index
    %get3A_20 = vector.load %arg4[%get3A_18, %get3A_19] : memref<1x128xf32, #tpu.memory_space<vmem>>, vector<1x128xf32>
    %add3A = vector.broadcast %get3A_20 : vector<1x128xf32> to vector<512x128xf32>
    %add3A_21 = arith.addf %mul3A_17, %add3A : vector<512x128xf32>
    %get3A_22 = arith.constant 0 : index
    %get3A_23 = arith.constant 0 : index
    %get3A_24 = vector.load %arg3[%get3A_22, %get3A_23] : memref<512x128xf32, #tpu.memory_space<vmem>>, vector<512x128xf32>
    %add3A_25 = arith.addf %add3A_21, %get3A_24 : vector<512x128xf32>
    %max3A_26 = arith.constant 0.000000e+00 : f32
    %max3A_27 = vector.broadcast %max3A_26 : f32 to vector<512x128xf32>
    %max3A_28 = arith.maximumf %add3A_25, %max3A_27 : vector<512x128xf32>
    %get3A_29 = arith.constant 0 : index
    %get3A_30 = arith.constant 0 : index
    %get3A_31 = vector.load %arg6[%get3A_29, %get3A_30] : memref<128x128xf32, #tpu.memory_space<vmem>>, vector<128x128xf32>
    %dot_general3A = arith.constant dense<0.000000e+00> : vector<512x128xf32>
    %dot_general3A_32 = tpu.matmul %max3A_28, %get3A_31, %dot_general3A {dimension_numbers = #tpu.dot_dimension_numbers<[1], [1], [0], [0], [0, 0, 1, 0], [], []>, transpose_lhs_hint = false} : vector<512x128xf32>, vector<128x128xf32>, vector<512x128xf32> -> vector<512x128xf32>
    %slice3A = vector.extract_strided_slice %dot_general3A_32 {offsets = [0, 0], sizes = [512, 64], strides = [1, 1]} : vector<512x128xf32> to vector<512x64xf32>
    %swap3A = arith.constant 0 : index
    %swap3A_33 = arith.constant 0 : index
    %swap3A_34 = arith.constant 0 : index
    %swap3A_35 = vector.load %arg8[%swap3A, %swap3A_33, %swap3A_34] : memref<2x512x64xf32, #tpu.memory_space<vmem>>, vector<1x512x64xf32>
    %swap3A_36 = vector.shape_cast %swap3A_35 : vector<1x512x64xf32> to vector<512x64xf32>
    %swap3A_37 = vector.shape_cast %slice3A : vector<512x64xf32> to vector<1x512x64xf32>
    tpu.vector_store %arg8[%swap3A, %swap3A_33, %swap3A_34], %swap3A_37 {strides = array<i32>} : memref<2x512x64xf32, #tpu.memory_space<vmem>>, vector<1x512x64xf32>,
    %slice3A_38 = vector.extract_strided_slice %dot_general3A_32 {offsets = [0, 64], sizes = [512, 64], strides = [1, 1]} : vector<512x128xf32> to vector<512x64xf32>
    %swap3A_39 = arith.constant 1 : index
    %swap3A_40 = arith.constant 0 : index
    %swap3A_41 = arith.constant 0 : index
    %swap3A_42 = vector.load %arg8[%swap3A_39, %swap3A_40, %swap3A_41] : memref<2x512x64xf32, #tpu.memory_space<vmem>>, vector<1x512x64xf32>
    %swap3A_43 = vector.shape_cast %swap3A_42 : vector<1x512x64xf32> to vector<512x64xf32>
    %swap3A_44 = vector.shape_cast %slice3A_38 : vector<512x64xf32> to vector<1x512x64xf32>
    tpu.vector_store %arg8[%swap3A_39, %swap3A_40, %swap3A_41], %swap3A_44 {strides = array<i32>} : memref<2x512x64xf32, #tpu.memory_space<vmem>>, vector<1x512x64xf32>,
    %get3A_45 = arith.constant 0 : index
    %get3A_46 = arith.constant 0 : index
    %get3A_47 = vector.load %arg7[%get3A_45, %get3A_46] : memref<128x128xf32, #tpu.memory_space<vmem>>, vector<128x128xf32>
    %dot_general3A_48 = arith.constant dense<0.000000e+00> : vector<512x128xf32>
    %dot_general3A_49 = tpu.matmul %max3A_28, %get3A_47, %dot_general3A_48 {dimension_numbers = #tpu.dot_dimension_numbers<[1], [1], [0], [0], [0, 0, 1, 0], [], []>, transpose_lhs_hint = false} : vector<512x128xf32>, vector<128x128xf32>, vector<512x128xf32> -> vector<512x128xf32>
    %get3A_50 = arith.constant 0 : index
    %get3A_51 = arith.constant 0 : index
    %get3A_52 = vector.load %arg5[%get3A_50, %get3A_51] : memref<1x128xf32, #tpu.memory_space<vmem>>, vector<1x128xf32>
    %add3A_53 = vector.broadcast %get3A_52 : vector<1x128xf32> to vector<512x128xf32>
    %add3A_54 = arith.addf %dot_general3A_49, %add3A_53 : vector<512x128xf32>
    %swap3A_55 = arith.constant 0 : index
    %swap3A_56 = arith.constant 0 : index
    %swap3A_57 = vector.load %arg9[%swap3A_55, %swap3A_56] : memref<512x128xf32, #tpu.memory_space<vmem>>, vector<512x128xf32>
    tpu.vector_store %arg9[%swap3A_55, %swap3A_56], %add3A_54 {strides = array<i32>} : memref<512x128xf32, #tpu.memory_space<vmem>>, vector<512x128xf32>,
    return
  }
  func.func @transform_0(%arg0: i32) -> (i32, i32, i32) {
    %c0_i32 = arith.constant 0 : i32
    %c0_i32_0 = arith.constant 0 : i32
    %c0_i32_1 = arith.constant 0 : i32
    return %c0_i32, %arg0, %c0_i32_0 : i32, i32, i32
  }
  func.func @transform_1(%arg0: i32) -> (i32, i32) {
    %c0_i32 = arith.constant 0 : i32
    %c0_i32_0 = arith.constant 0 : i32
    return %c0_i32, %arg0 : i32, i32
  }
  func.func @transform_2(%arg0: i32) -> (i32, i32) {
    %c0_i32 = arith.constant 0 : i32
    %c0_i32_0 = arith.constant 0 : i32
    return %arg0, %c0_i32 : i32, i32
  }
  func.func @transform_3(%arg0: i32) -> (i32, i32) {
    %c0_i32 = arith.constant 0 : i32
    %c0_i32_0 = arith.constant 0 : i32
    %c0_i32_1 = arith.constant 0 : i32
    return %c0_i32, %c0_i32_0 : i32, i32
  }
  func.func @transform_4(%arg0: i32) -> (i32, i32) {
    %c0_i32 = arith.constant 0 : i32
    %c0_i32_0 = arith.constant 0 : i32
    %c0_i32_1 = arith.constant 0 : i32
    return %c0_i32, %c0_i32_0 : i32, i32
  }
  func.func @transform_5(%arg0: i32) -> (i32, i32) {
    %c0_i32 = arith.constant 0 : i32
    %c0_i32_0 = arith.constant 0 : i32
    %c0_i32_1 = arith.constant 0 : i32
    return %c0_i32, %c0_i32_0 : i32, i32
  }
  func.func @transform_6(%arg0: i32) -> (i32, i32) {
    %c0_i32 = arith.constant 0 : i32
    %c0_i32_0 = arith.constant 0 : i32
    %c0_i32_1 = arith.constant 0 : i32
    return %c0_i32, %c0_i32_0 : i32, i32
  }
  func.func @transform_7(%arg0: i32) -> (i32, i32, i32) {
    %c0_i32 = arith.constant 0 : i32
    %c0_i32_0 = arith.constant 0 : i32
    %c0_i32_1 = arith.constant 0 : i32
    return %c0_i32, %arg0, %c0_i32_0 : i32, i32, i32
  }
  func.func @transform_8(%arg0: i32) -> (i32, i32) {
    %c0_i32 = arith.constant 0 : i32
    %c0_i32_0 = arith.constant 0 : i32
    return %arg0, %c0_i32 : i32, i32
  }
}

module attributes {stable_mosaic.version = 14 : i64} {
  func.func @_tc3_body(%arg0: i32, %arg1: memref<2x512x64xf32, #tpu.memory_space<vmem>>, %arg2: memref<32x512xf32, #tpu.memory_space<vmem>>, %arg3: memref<512x128xf32, #tpu.memory_space<vmem>>, %arg4: memref<512x128xf32, #tpu.memory_space<vmem>>) attributes {dimension_semantics = [#tpu.dimension_semantics<arbitrary>], iteration_bounds = array<i64: 20>, scalar_prefetch = 0 : i64, scratch_operands = 0 : i64, tpu.core_type = #tpu.core_type<tc>, window_params = [{transform_indices = @transform_0, window_bounds = array<i64: 2, 512, 64>}, {transform_indices = @transform_1, window_bounds = array<i64: 32, 512>}, {transform_indices = @transform_2, window_bounds = array<i64: 512, 128>}, {transform_indices = @transform_3, window_bounds = array<i64: 512, 128>}]} {
    %get3A = arith.constant 0 : index
    %get3A_0 = arith.constant 0 : index
    %get3A_1 = arith.constant 0 : index
    %get3A_2 = vector.load %arg1[%get3A, %get3A_0, %get3A_1] : memref<2x512x64xf32, #tpu.memory_space<vmem>>, vector<1x512x64xf32>
    %get3A_3 = vector.shape_cast %get3A_2 : vector<1x512x64xf32> to vector<512x64xf32>
    %get3A_4 = arith.constant 1 : index
    %get3A_5 = arith.constant 0 : index
    %get3A_6 = arith.constant 0 : index
    %get3A_7 = vector.load %arg1[%get3A_4, %get3A_5, %get3A_6] : memref<2x512x64xf32, #tpu.memory_space<vmem>>, vector<1x512x64xf32>
    %get3A_8 = vector.shape_cast %get3A_7 : vector<1x512x64xf32> to vector<512x64xf32>
    %concatenate3A = tpu.concatenate %get3A_3, %get3A_8 in 1 : vector<512x64xf32>, vector<512x64xf32> -> vector<512x128xf32>
    %get3A_9 = arith.constant 0 : index
    %get3A_10 = arith.constant 0 : index
    %get3A_11 = vector.load %arg2[%get3A_9, %get3A_10] : memref<32x512xf32, #tpu.memory_space<vmem>>, vector<32x512xf32>
    %transpose3A = tpu.transpose %get3A_11, [1, 0] : vector<32x512xf32> -> vector<512x32xf32>
    %reduce_sum3A = arith.constant dense<0.000000e+00> : vector<512xf32>
    %reduce_sum3A_12 = vector.multi_reduction <add>, %transpose3A, %reduce_sum3A [1] : vector<512x32xf32> to vector<512xf32>
    %broadcast_in_dim3A = vector.shape_cast %reduce_sum3A_12 : vector<512xf32> to vector<512x1xf32>
    %max3A = arith.constant 1.000000e+00 : f32
    %max3A_13 = vector.broadcast %max3A : f32 to vector<512x1xf32>
    %max3A_14 = arith.maximumf %broadcast_in_dim3A, %max3A_13 : vector<512x1xf32>
    %div3A = arith.constant 1.000000e+00 : f32
    %div3A_15 = vector.broadcast %div3A : f32 to vector<512x1xf32>
    %div3A_16 = arith.divf %div3A_15, %max3A_14 : vector<512x1xf32>
    %mul3A = vector.broadcast %div3A_16 : vector<512x1xf32> to vector<512x128xf32>
    %mul3A_17 = arith.mulf %concatenate3A, %mul3A : vector<512x128xf32>
    %get3A_18 = arith.constant 0 : index
    %get3A_19 = arith.constant 0 : index
    %get3A_20 = vector.load %arg3[%get3A_18, %get3A_19] : memref<512x128xf32, #tpu.memory_space<vmem>>, vector<512x128xf32>
    %add3A = arith.addf %mul3A_17, %get3A_20 : vector<512x128xf32>
    %swap3A = arith.constant 0 : index
    %swap3A_21 = arith.constant 0 : index
    %swap3A_22 = vector.load %arg4[%swap3A, %swap3A_21] : memref<512x128xf32, #tpu.memory_space<vmem>>, vector<512x128xf32>
    tpu.vector_store %arg4[%swap3A, %swap3A_21], %add3A {strides = array<i32>} : memref<512x128xf32, #tpu.memory_space<vmem>>, vector<512x128xf32>,
    return
  }
  func.func @transform_0(%arg0: i32) -> (i32, i32, i32) {
    %c0_i32 = arith.constant 0 : i32
    %c0_i32_0 = arith.constant 0 : i32
    %c0_i32_1 = arith.constant 0 : i32
    return %c0_i32, %arg0, %c0_i32_0 : i32, i32, i32
  }
  func.func @transform_1(%arg0: i32) -> (i32, i32) {
    %c0_i32 = arith.constant 0 : i32
    %c0_i32_0 = arith.constant 0 : i32
    return %c0_i32, %arg0 : i32, i32
  }
  func.func @transform_2(%arg0: i32) -> (i32, i32) {
    %c0_i32 = arith.constant 0 : i32
    %c0_i32_0 = arith.constant 0 : i32
    return %arg0, %c0_i32 : i32, i32
  }
  func.func @transform_3(%arg0: i32) -> (i32, i32) {
    %c0_i32 = arith.constant 0 : i32
    %c0_i32_0 = arith.constant 0 : i32
    return %arg0, %c0_i32 : i32, i32
  }
}

</mosaic_0001>

<sc_bundles>
// kernel: kernel.10.cloned.1.call-start
scs
__scs_entry_jumppad:
0x0: {  	(pc) =	sbr.rel $0x88, $3  }
0x1: {  	(tag) =	ssettag $0x0;
	lr =	simm.s32 $0x1  }
0x2: {  	[smem:$0x3F99] =	sst lr;
	_ =	strace $0xD0000000  }
0x3: {  	_ = 	snop  }
0x4: {  	_ = 	snop  }
0x5: {  	_ = 	snop  }
0x6: {  	_ = 	snop  }
0x7: {  	_ = 	snop  }
__scs_overlays_trampoline_lowered:
0x8: {  	[smem:$0x3FA8] =	sst s0  }
0x9: {  	[smem:$0x3FA9] =	sst s1  }
0xa: {  	[smem:$0x3FAA] =	sst s2  }
0xb: {  	[smem:$0x3FAB] =	sst s3  }
0xc: {  	[smem:$0x3FAC] =	sst s4  }
0xd: {  	[smem:$0x3FAD] =	sst s5  }
0xe: {  	[smem:$0x3FAE] =	sst s6  }
0xf: {  	[smem:$0x3FAF] =	sst s7  }
0x10: {  	[smem:$0x3FB0] =	sst s8  }
0x11: {  	[smem:$0x3FB1] =	sst s9;
	s0 =	simm.s32 @!p0 $0x0  }
0x12: {  	s1 =	sld [smem:$0x3F97];
	s0 =	simm.s32 @p0 $0x1  }
0x13: {  	[smem:$0x3FB2] =	sst s0;
	s0 =	simm.s32 @!p1 $0x0  }
0x14: {  	s2 =	sld [smem:$0x3F96];
	s0 =	simm.s32 @p1 $0x1  }
0x15: {  	[smem:$0x3FB3] =	sst s0;
	s0 =	simm.s32 @!p2 $0x0  }
0x16: {  	s3 =	sld [smem:$0x3FDB];
	s0 =	simm.s32 @p2 $0x1  }
0x17: {  	s4 =	simm.s32 $0x1BF5;
	[smem:$0x3FB5] =	sst s0  }
0x18: {  	s0 =	sld [smem:$0x3F98];
	_ =	swait.ge [sflag:s4], $0x0  }
0x19: {  	s7 =	sld [smem:$0x3F99]  }
0x1a: {  	s8 =	sadd.s32 $0xFFFFE003, lr  }
0x1b: {  	s9 =	sadd.s32 $0xFFFFFEF7, lr;
	s5 =	simm.s32 $0xFFFFFFFF;
	p2 =	slt.u32 s8, $0xFFFFF086  }
0x1c: {  	p1 =	slt.u32 s9, $0xF7A;
	s5 =	simm.s32 @!p2 $0x0  }
0x1d: {  	s5 =	simm.s32 @p1 $0x1;
	p0 =	seq.s32 s7, s2  }
0x1e: {  	s7 =	smul.u32 @!p0 $0xF7A, s2;
	p2 =	seq.s32 @!p0 s5, $0x0  }
0x1f: {  	s9 =	smul.u32 $0xF7A, s1;
	s8 =	simm.s32 @!p0 $0x1BF5;
	p2 =	por !p2, p0  }
0x20: {  	[sflag:s8] =	ssyncset.s32 @!p0 $0xFFFFF086;
	s6 =	sadd.s32 @!p0 s3, s7;
	s7 =	simm.s32 @!p0 $0x108  }
0x21: {  	s3 =	sadd.s32 s3, s9;
	s6 =	sadd.s32 @!p0 $0x88, s6;
	s7 =	simm.s32 @p2 $0x1082  }
0x22: {  	[simem:s7], [sflag:s8] =	dma.local @!p0 [hbm:s6], $0xF7A  }
0x23: {  	s9 =	sor.u32 $0xD0000000, s2;
	s6 =	simm.s32 $0x108;
	_ =	swait.ge @!p0 [sflag:s8], $0x0  }
0x24: {  	s3 =	sadd.s32 $0x88, s3;
	s6 =	simm.s32 @!p1 $0x1082;
	[sflag:s4] =	ssyncset.s32 $0xFFFFF086  }
0x25: {  	[simem:s6], [sflag:s4] =	dma.local [hbm:s3], $0xF7A  }
0x26: {  	[smem:$0x3F99] =	sst s1;
	(tag) =	ssettag s2;
	_ =	strace s9  }
0x27: {  	s1 =	sld [smem:$0x3FA9]  }
0x28: {  	s2 =	sld [smem:$0x3FAA]  }
0x29: {  	s4 =	sld [smem:$0x3FAC]  }
0x2a: {  	p0 =	seq.s32 s5, $0x0;
	s5 =	sld [smem:$0x3FAD]  }
0x2b: {  	s6 =	sld [smem:$0x3FAE]  }
0x2c: {  	s7 =	sld [smem:$0x3FAF]  }
0x2d: {  	s3 =	simm.s32 $0x108;
	s8 =	sld [smem:$0x3FB0]  }
0x2e: {  	s3 =	simm.s32 @!p0 $0x1082;
	s9 =	sld [smem:$0x3FB1]  }
0x2f: {  	lr =	sadd.s32 s0, s3;
	s0 =	sld [smem:$0x3FA8]  }
0x30: {  	s3 =	sld [smem:$0x3FAB]  }
0x31: {  	[smem:$0x3FB4] =	sst s10  }
0x32: {  	s10 =	sld [smem:$0x3FB2];
	_ =	sdelay $0x3  }
0x33: {  	p0 =	seq.s32 s10, $0x1;
	s10 =	sld [smem:$0x3FB4];
	_ =	sdelay $0x3  }
0x34: {  	[smem:$0x3FB4] =	sst s10  }
0x35: {  	s10 =	sld [smem:$0x3FB3];
	_ =	sdelay $0x3  }
0x36: {  	p1 =	seq.s32 s10, $0x1;
	s10 =	sld [smem:$0x3FB4];
	_ =	sdelay $0x3  }
0x37: {  	[smem:$0x3FB4] =	sst s10  }
0x38: {  	s10 =	sld [smem:$0x3FB5]  }
0x39: {  	_ = 	snop;
	(pc) =	sbr.ind lr, $3  }
0x3a: {  	_ = 	snop  }
0x3b: {  	_ = 	snop  }
0x3c: {  	p2 =	seq.s32 s10, $0x1;
	s10 =	sld [smem:$0x3FB4]  }
0x3d: {  	_ =	shalt  }
0x3e: {  	_ =	shalt  }
0x3f: {  	_ =	shalt  }
0x40: {  	_ =	shalt  }
0x41: {  	_ =	shalt  }
0x42: {  	_ =	shalt  }
0x43: {  	_ =	shalt  }
0x44: {  	_ =	shalt  }
0x45: {  	_ =	shalt  }
0x46: {  	_ =	shalt  }
0x47: {  	_ =	shalt  }
0x48: {  	_ =	shalt  }
0x49: {  	_ =	shalt  }
0x4a: {  	_ =	shalt  }
0x4b: {  	_ =	shalt  }
0x4c: {  	_ =	shalt  }
0x4d: {  	_ =	shalt  }
0x4e: {  	_ =	shalt  }
0x4f: {  	_ =	shalt  }
0x50: {  	_ =	shalt  }
0x51: {  	_ =	shalt  }
0x52: {  	_ =	shalt  }
0x53: {  	_ =	shalt  }
0x54: {  	_ =	shalt  }
0x55: {  	_ =	shalt  }
0x56: {  	_ =	shalt  }
0x57: {  	_ =	shalt  }
0x58: {  	_ =	shalt  }
0x59: {  	_ =	shalt  }
0x5a: {  	_ =	shalt  }
0x5b: {  	_ =	shalt  }
0x5c: {  	_ =	shalt  }
0x5d: {  	_ =	shalt  }
0x5e: {  	_ =	shalt  }
0x5f: {  	_ =	shalt  }
0x60: {  	_ =	shalt  }
0x61: {  	_ =	shalt  }
0x62: {  	_ =	shalt  }
0x63: {  	_ =	shalt  }
0x64: {  	_ =	shalt  }
0x65: {  	_ =	shalt  }
0x66: {  	_ =	shalt  }
0x67: {  	_ =	shalt  }
0x68: {  	_ =	shalt  }
0x69: {  	_ =	shalt  }
0x6a: {  	_ =	shalt  }
0x6b: {  	_ =	shalt  }
0x6c: {  	_ =	shalt  }
0x6d: {  	_ =	shalt  }
0x6e: {  	_ =	shalt  }
0x6f: {  	_ =	shalt  }
0x70: {  	_ =	shalt  }
0x71: {  	_ =	shalt  }
0x72: {  	_ =	shalt  }
0x73: {  	_ =	shalt  }
0x74: {  	_ =	shalt  }
0x75: {  	_ =	shalt  }
0x76: {  	_ =	shalt  }
0x77: {  	_ =	shalt  }
0x78: {  	_ =	shalt  }
0x79: {  	_ =	shalt  }
0x7a: {  	_ =	shalt  }
0x7b: {  	_ =	shalt  }
0x7c: {  	_ =	shalt  }
0x7d: {  	_ =	shalt  }
0x7e: {  	_ =	shalt  }
0x7f: {  	_ =	shalt  }
0x80: {  	_ =	shalt  }
0x81: {  	_ =	shalt  }
0x82: {  	_ =	shalt  }
0x83: {  	_ =	shalt  }
0x84: {  	_ =	shalt  }
0x85: {  	_ =	shalt  }
0x86: {  	_ =	shalt  }
0x87: {  	_ =	shalt  }
.Lfunc_end0:
.L_simem_size_0:
called_computation.1_lowered:
.L_overlay_start_0:
0x88: {  	s2 =	sld [smem:$0x3FD9]  }
0x89: {  	s3 =	sld [smem:$0x3FFE];
	_ =	sdelay $0x1  }
0x8a: {  	s1 =	srdreg.scid  }
0x8b: {  	s0 =	sand.u32 $0x1, s1  }
0x8c: {  	s17 =	sshll.u32 s0, $0xA;
	s2 =	sadd.s32 s3, s2  }
0x8d: {  	s2 =	sadd.s32 s2, s17  }
0x8e: {  	[smem:$0x3FC0] =	sst s2  }
0x8f: {  	_ = 	snop  }
0x90: {  	s2 =	sld [smem:$0x3FD0];
	(tm) =	ssettm $0x1  }
0x91: {  	s18 =	sld [smem:$0x3FFB];
	_ =	sdelay $0x3  }
0x92: {  	_ =	strace s18  }
0x93: {  	s3 =	sld [smem:$0x3FFC];
	_ =	sdelay $0x3  }
0x94: {  	_ =	strace s3  }
0x95: {  	s3 =	sld [smem:$0x3FFD];
	_ =	sdelay $0x3  }
0x96: {  	_ =	strace s3  }
0x97: {  	_ =	strace $0x8FFFFFFF  }
0x98: {  	s19 =	sld [smem:$0x3FDB];
	_ =	sdelay $0x1  }
0x99: {  	s4 =	simm.s32 $_scs_section_size  }
0x9a: {  	s5 =	simm.s32 $_size__tile_overlayer_lowered;
	s6 =	simm.s32 $_tile_overlayer_lowered  }
0x9b: {  	s22 =	simm.s32 $0x1BFF;
	s21 =	sshll.u32 s6, $0x1;
	s3 =	sadd.s32 s4, s19  }
0x9c: {  	s7 =	simm.s32 $0x0;
	s20 =	sshll.u32 s5, $0x1;
	s5 =	sadd.s32 s21, s3  }
0x9d: {  	[timem:s7], [sflag:s22] =	dma.local [hbm:s5], s20  }
0x9e: {  	_ =	swait.ge [sflag:s22], s20  }
0x9f: {  	s4 =	ssub.s32 $0x0, s20;
	[sflag:s22] =	ssyncset.done $0x0  }
0xa0: {  	[sflag:s22] =	ssyncadd.s32 s4;
	_ =	sdelay $0x1  }
0xa1: {  	s23 =	simm.s32 $0x1B8B  }
0xa2: {  	_ =	swait.ge [sflag:s23], $0x1  }
0xa3: {  	[sflag:s23] =	ssyncset.done $0x0  }
0xa4: {  	s25 =	simm.s32 $0x1B8E;
	s24 =	sld [smem:$0x3FFE];
	[sflag:s23] =	ssyncadd.s32 $0xFFFFFFFF  }
0xa5: {  	s26 =	simm.s32 $execute0_lowered;
	[smem:$0x3FD2] =	sst s25  }
0xa6: {  	s5 =	sshll.u32 s26, $0x1;
	_ =	strace $0x80000049;
	[dreg:$0x1] =	wrdreg $0xFFFFFFFF  }
0xa7: {  	s28 =	simm.s32 $_size_execute0_lowered;
	s3 =	sadd.s32 s3, s5;
	[dreg:$0x0] =	wrdreg $0x0  }
0xa8: {  	s5 =	sshll.u32 s28, $0x1;
	[dreg:$0x2] =	wrdreg s3  }
0xa9: {  	[dreg:$0x3] =	wrdreg s5  }
0xaa: {  	[dreg:$0x4] =	wrdreg $0xC0  }
0xab: {  	_ =	task [dreg:s7], $0x5FFFF  }
0xac: {  	[dreg:$0x1] =	wrdreg $0xFFFFFFFF  }
0xad: {  	[dreg:$0x0] =	wrdreg $0x60  }
0xae: {  	[dreg:$0x2] =	wrdreg s24  }
0xaf: {  	[dreg:$0x3] =	wrdreg s2  }
0xb0: {  	[dreg:$0x4] =	wrdreg $0x120000  }
0xb1: {  	[dreg:$0x5] =	wrdreg $0x9  }
0xb2: {  	_ =	task.clear_ibuf [dreg:s7], $0x6FFFF;
	_ =	strace $0x90000049  }
0xb3: {  	s29 =	simm.s32 $0x9;
	_ =	strace $0x8000004B  }
0xb4: {  	_ =	swait.ge [sflag:s29], $0x1  }
0xb5: {  	[sflag:s29] =	ssyncadd.s32 $0xFFFFFFFF  }
0xb6: {  	_ =	strace $0x9000004B  }
0xb7: {  	_ =	sfence  }
0xb8: {  	s30 =	sld [smem:$0x0];
	_ =	sdelay $0x2  }
0xb9: {  	s31 =	sshll.u32 s1, $0xD;
	s1 =	sshrl.u32 s1, $0x2  }
0xba: {  	s3 =	sand.u32 $0x4000, s31;
	s1 =	sadd.s32 s1, s30  }
0xbb: {  	s0 =	sor.u32 s3, s0;
	s1 =	sshll.u32 s1, $0x11  }
0xbc: {  	s0 =	sor.u32 s1, s0  }
0xbd: {  	s0 =	sadd.s32 $0x8F2B, s0  }
0xbe: {  	[sflag:s0] =	ssyncadd.remote.s32 $0x1  }
0xbf: {  	_ =	sfence.sel $0xFFFF  }
0xc0: {  	[dreg:$0x0] =	wrdreg $0xFFFFFFFF;
	(pc) =	sbr.abs _section_cstart, $3  }
0xc1: {  	[dreg:$0x1] =	wrdreg $0xFFFFFFFF  }
0xc2: {  	_ =	task.clear_ibuf [dreg:s7], $0x2FFFF;
	_ =	strace $0x9FFFFFFF  }
0xc3: {  	(tm) =	ssettm $0x7FFFFFFF  }
tec
execute0_lowered:
.L_overlay_start_1:
0x0: {  	(tag) =	ssettag $0x1  }
0x1: {  	s0 =	rddreg [dreg:$0x0]  }
0x2: {  	s1 =	rddreg [dreg:$0x1]  }
0x3: {  	s2 =	rddreg [dreg:$0x2];
	s13 =	stileid.u32  }
0x4: {  	s3 =	simm.s32 $0x0;
	s4 =	srdreg.scid;
	s14 =	simm.s32 $0x80  }
0x5: {  	s15 =	simm.s32 $0xA000;
	s16 =	simm.s32 $0xC000;
	s18 =	simm.s32 $0xE000  }
0x6: {  	s19 =	simm.s32 $0x1;
	s21 =	simm.s32 $0x10000;
	s22 =	simm.s32 $0x2  }
0x7: {  	s28 =	simm.s32 $0x4;
	s29 =	simm.s32 $0x7;
	s30 =	simm.s32 $0x8  }
0x8: {  	s31 =	simm.s32 $0x9F00;
	s5 =	smul.u32 $0xA00, s13;
	[smem:$0x7FF] =	sst s3  }
0x9: {  	s7 =	smul.u32 $0xA000, s13;
	s6 =	sand.u32 $0x1, s4;
	s4 =	sadd.s32 $0x1C00, s0  }
0xa: {  	s26 =	sshll.u32 s13, $0x6;
	_ =	strace $0x8000004A;
	s8 =	smul.u32 $0xA0000, s6  }
0xb: {  	s10 =	sshll.u32 s6, $0x4;
	s6 =	ssub.s32 $0x2, s6;
	s9 =	sadd.s32 s5, s0  }
0xc: {  	s24 =	sshrl.u32 s7, $0x3;
	s10 =	sor.u32 s13, s10;
	s11 =	sshrl.u32 s6, $0x1  }
0xd: {  	s25 =	sadd.s32 s7, s2;
	s8 =	sadd.s32 s7, s8;
	s10 =	smul.u32 $0xA00, s10  }
0xe: {  	s12 =	sadd.s32 s24, s0;
	s11 =	ssub.s32 s6, s11;
	s6 =	sadd.s32 $0x29C00, s9  }
0xf: {  	s13 =	sshrl.u32 s25, $0x3;
	s24 =	simm.s32 $0x5;
	s25 =	simm.s32 $0x3  }
0x10: {  	s8 =	sshrl.u32 s8, $0x3;
	s7 =	sadd.s32 $0x33C00, s12;
	s9 =	smax.u32 s11, $0x1  }
0x11: {  	s11 =	simm.s32 $0x5000;
	s12 =	sor.u32 $0x1C09, s26;
	s26 =	simm.s32 $0x6  }
0x12: {  	s0 =	sadd.s32 s8, s0;
	s5 =	sadd.s32 s1, s10;
	s10 =	simm.s32 $0x9  }
0x13: {  	s1 =	simm.s32 $0x0;
	s8 =	sadd.s32 $0x47C00, s0;
	s0 =	simm.s32 $0x9F80  }
.LBB2_1:
0x14: {  	[tilespmem:s3], [sflag:$0x9] =	stream.linear.gather [hbm4b:s5+s3], $0x5000, $0x38;
	[tilespmem:$0x1C000] =	vst v63  }
0x15: {  	_ =	swait.ge [sflag:s10], $0x5000  }
0x16: {  	[sflag:s10] =	ssyncset.done $0x0  }
0x17: {  	[sflag:s10] =	ssyncadd.s32 $0xFFFFB000  }
0x18: {  	[tilespmem:s11], [sflag:$0x9] =	stream.linear.gather [hbm4b:s6+s3], $0x5000, $0x38;
	[tilespmem:$0x1C000] =	vst v63  }
0x19: {  	_ =	swait.ge [sflag:s10], $0x5000  }
0x1a: {  	[sflag:s10] =	ssyncset.done $0x0  }
0x1b: {  	[sflag:s10] =	ssyncadd.s32 $0xFFFFB000  }
0x1c: {  	[spmem:s13], [sflag:s12] =	dma.local [hbm:s7], $0x1400  }
0x1d: {  	_ =	swait.ge [sflag:s10], $0x1400  }
0x1e: {  	[sflag:s10] =	ssyncset.done $0x0  }
0x1f: {  	[sflag:s10] =	ssyncadd.s32 $0xFFFFEC00  }
0x20: {  	[bflag:$0x0] =	sbarrier.arrive $0xFFFF  }
0x21: {  	[tilespmem:s15], [sflag:$0x1] =	stream.indirect.gather [hbm4b:s4+s14], $0x40, s3, s14, $0xb8;
	[tilespmem:$0x1C000] =	vst v63  }
0x22: {  	_ = 	snop  }
0x23: {  	[tilespmem:s16], [sflag:$0x2] =	stream.indirect.gather [hbm4b:s4+s14], $0x40, s14, s14, $0xb8;
	[tilespmem:$0x1C000] =	vst v63  }
0x24: {  	s17 =	simm.s32 $0x100  }
0x25: {  	[tilespmem:s18], [sflag:$0x3] =	stream.indirect.gather [hbm4b:s4+s14], $0x40, s17, s14, $0xb8;
	[tilespmem:$0x1C000] =	vst v63  }
0x26: {  	_ =	swait.ge [sflag:s19], $0x2000  }
0x27: {  	[sflag:s19] =	ssyncset.done $0x0  }
0x28: {  	[sflag:s19] =	ssyncadd.s32 $0xFFFFE000  }
0x29: {  	[spmem:s2] =	stream.indirect.scatter.add.f32 [tilespmem:s15], [sflag:$0x5], $0x40, s11, s14, $0xb8;
	[tilespmem:$0x1C000] =	vst v63  }
0x2a: {  	s23 =	simm.s32 $0x180  }
0x2b: {  	[tilespmem:s21], [sflag:$0x4] =	stream.indirect.gather [hbm4b:s4+s14], $0x40, s23, s14, $0xb8;
	[tilespmem:$0x1C000] =	vst v63  }
0x2c: {  	_ =	swait.ge [sflag:s22], $0x2000  }
0x2d: {  	[sflag:s22] =	ssyncset.done $0x0  }
0x2e: {  	s20 =	simm.s32 $0x5080;
	[sflag:s22] =	ssyncadd.s32 $0xFFFFE000  }
0x2f: {  	[spmem:s2] =	stream.indirect.scatter.add.f32 [tilespmem:s16], [sflag:$0x6], $0x40, s20, s14, $0xb8;
	[tilespmem:$0x1C000] =	vst v63  }
0x30: {  	_ =	swait.ge [sflag:s24], $0x2000  }
0x31: {  	[sflag:s24] =	ssyncset.done $0x0  }
0x32: {  	s23 =	simm.s32 $0x200;
	[sflag:s24] =	ssyncadd.s32 $0xFFFFE000  }
0x33: {  	[tilespmem:s15], [sflag:$0x1] =	stream.indirect.gather [hbm4b:s4+s14], $0x40, s23, s14, $0xb8;
	[tilespmem:$0x1C000] =	vst v63  }
0x34: {  	_ =	swait.ge [sflag:s25], $0x2000  }
0x35: {  	[sflag:s25] =	ssyncset.done $0x0  }
0x36: {  	s20 =	simm.s32 $0x5100;
	[sflag:s25] =	ssyncadd.s32 $0xFFFFE000  }
0x37: {  	[spmem:s2] =	stream.indirect.scatter.add.f32 [tilespmem:s18], [sflag:$0x7], $0x40, s20, s14, $0xb8;
	[tilespmem:$0x1C000] =	vst v63  }
0x38: {  	_ =	swait.ge [sflag:s26], $0x2000  }
0x39: {  	[sflag:s26] =	ssyncset.done $0x0  }
0x3a: {  	s23 =	simm.s32 $0x280;
	[sflag:s26] =	ssyncadd.s32 $0xFFFFE000  }
0x3b: {  	[tilespmem:s16], [sflag:$0x2] =	stream.indirect.gather [hbm4b:s4+s14], $0x40, s23, s14, $0xb8;
	[tilespmem:$0x1C000] =	vst v63  }
0x3c: {  	_ =	swait.ge [sflag:s28], $0x2000  }
0x3d: {  	[sflag:s28] =	ssyncset.done $0x0  }
0x3e: {  	s20 =	simm.s32 $0x5180;
	[sflag:s28] =	ssyncadd.s32 $0xFFFFE000  }
0x3f: {  	[spmem:s2] =	stream.indirect.scatter.add.f32 [tilespmem:s21], [sflag:$0x8], $0x40, s20, s14, $0xb8;
	[tilespmem:$0x1C000] =	vst v63  }
0x40: {  	_ =	swait.ge [sflag:s29], $0x2000  }
0x41: {  	[sflag:s29] =	ssyncset.done $0x0  }
0x42: {  	s23 =	simm.s32 $0x300;
	[sflag:s29] =	ssyncadd.s32 $0xFFFFE000  }
0x43: {  	[tilespmem:s18], [sflag:$0x3] =	stream.indirect.gather [hbm4b:s4+s14], $0x40, s23, s14, $0xb8;
	[tilespmem:$0x1C000] =	vst v63  }
0x44: {  	_ =	swait.ge [sflag:s19], $0x2000  }
0x45: {  	[sflag:s19] =	ssyncset.done $0x0  }
0x46: {  	s20 =	simm.s32 $0x5200;
	[sflag:s19] =	ssyncadd.s32 $0xFFFFE000  }
0x47: {  	[spmem:s2] =	stream.indirect.scatter.add.f32 [tilespmem:s15], [sflag:$0x5], $0x40, s20, s14, $0xb8;
	[tilespmem:$0x1C000] =	vst v63  }
0x48: {  	_ =	swait.ge [sflag:s30], $0x2000  }
0x49: {  	[sflag:s30] =	ssyncset.done $0x0  }
0x4a: {  	s23 =	simm.s32 $0x380;
	[sflag:s30] =	ssyncadd.s32 $0xFFFFE000  }
0x4b: {  	[tilespmem:s21], [sflag:$0x4] =	stream.indirect.gather [hbm4b:s4+s14], $0x40, s23, s14, $0xb8;
	[tilespmem:$0x1C000] =	vst v63  }
0x4c: {  	_ =	swait.ge [sflag:s22], $0x2000  }
0x4d: {  	[sflag:s22] =	ssyncset.done $0x0  }
0x4e: {  	s17 =	simm.s32 $0x800;
	s20 =	simm.s32 $0x5280;
	[sflag:s22] =	ssyncadd.s32 $0xFFFFE000  }
.LBB2_2:
0x4f: {  	[spmem:s2] =	stream.indirect.scatter.add.f32 [tilespmem:s16], [sflag:$0x6], $0x40, s20, s14, $0xb8;
	[tilespmem:$0x1C000] =	vst v63  }
0x50: {  	s20 =	smov.u32 s17  }
0x51: {  	p0 =	sne.s32 s17, $0x13000;
	s17 =	sadd.s32 $0x800, s17;
	_ =	swait.ge [sflag:s24], $0x2000  }
0x52: {  	s20 =	sshra.s32 s20, $0x2;
	[sflag:s24] =	ssyncset.done $0x0  }
0x53: {  	s23 =	sadd.s32 $0x200, s20;
	[sflag:s24] =	ssyncadd.s32 $0xFFFFE000  }
0x54: {  	[tilespmem:s15], [sflag:$0x1] =	stream.indirect.gather [hbm4b:s4+s14], $0x40, s23, s14, $0xb8;
	[tilespmem:$0x1C000] =	vst v63  }
0x55: {  	_ =	swait.ge [sflag:s25], $0x2000  }
0x56: {  	[sflag:s25] =	ssyncset.done $0x0  }
0x57: {  	s23 =	sadd.s32 $0x5100, s20;
	[sflag:s25] =	ssyncadd.s32 $0xFFFFE000  }
0x58: {  	[spmem:s2] =	stream.indirect.scatter.add.f32 [tilespmem:s18], [sflag:$0x7], $0x40, s23, s14, $0xb8;
	[tilespmem:$0x1C000] =	vst v63  }
0x59: {  	_ =	swait.ge [sflag:s26], $0x2000  }
0x5a: {  	[sflag:s26] =	ssyncset.done $0x0  }
0x5b: {  	s23 =	sadd.s32 $0x280, s20;
	[sflag:s26] =	ssyncadd.s32 $0xFFFFE000  }
0x5c: {  	[tilespmem:s16], [sflag:$0x2] =	stream.indirect.gather [hbm4b:s4+s14], $0x40, s23, s14, $0xb8;
	[tilespmem:$0x1C000] =	vst v63  }
0x5d: {  	_ =	swait.ge [sflag:s28], $0x2000  }
0x5e: {  	[sflag:s28] =	ssyncset.done $0x0  }
0x5f: {  	s23 =	sadd.s32 $0x5180, s20;
	[sflag:s28] =	ssyncadd.s32 $0xFFFFE000  }
0x60: {  	[spmem:s2] =	stream.indirect.scatter.add.f32 [tilespmem:s21], [sflag:$0x8], $0x40, s23, s14, $0xb8;
	[tilespmem:$0x1C000] =	vst v63  }
0x61: {  	_ =	swait.ge [sflag:s29], $0x2000  }
0x62: {  	[sflag:s29] =	ssyncset.done $0x0  }
0x63: {  	s23 =	sadd.s32 $0x300, s20;
	[sflag:s29] =	ssyncadd.s32 $0xFFFFE000  }
0x64: {  	[tilespmem:s18], [sflag:$0x3] =	stream.indirect.gather [hbm4b:s4+s14], $0x40, s23, s14, $0xb8;
	[tilespmem:$0x1C000] =	vst v63  }
0x65: {  	_ =	swait.ge [sflag:s19], $0x2000  }
0x66: {  	[sflag:s19] =	ssyncset.done $0x0  }
0x67: {  	s23 =	sadd.s32 $0x5200, s20;
	[sflag:s19] =	ssyncadd.s32 $0xFFFFE000  }
0x68: {  	[spmem:s2] =	stream.indirect.scatter.add.f32 [tilespmem:s15], [sflag:$0x5], $0x40, s23, s14, $0xb8;
	[tilespmem:$0x1C000] =	vst v63  }
0x69: {  	_ =	swait.ge [sflag:s30], $0x2000  }
0x6a: {  	[sflag:s30] =	ssyncset.done $0x0  }
.Ltmp0:
0x6b: {  	s23 =	sadd.s32 $0x380, s20;
	[sflag:s30] =	ssyncadd.s32 $0xFFFFE000;
	(pc) =	sbr.rel @p0 .LBB2_2-.Ltmp0, $4  }
0x6c: {  	[tilespmem:s21], [sflag:$0x4] =	stream.indirect.gather [hbm4b:s4+s14], $0x40, s23, s14, $0xb8;
	[tilespmem:$0x1C000] =	vst v63  }
0x6d: {  	_ =	swait.ge [sflag:s22], $0x2000  }
0x6e: {  	[sflag:s22] =	ssyncset.done $0x0  }
0x6f: {  	s20 =	sadd.s32 $0x5280, s20;
	[sflag:s22] =	ssyncadd.s32 $0xFFFFE000  }
0x70: {  	[spmem:s2] =	stream.indirect.scatter.add.f32 [tilespmem:s16], [sflag:$0x6], $0x40, s20, s14, $0xb8;
	[tilespmem:$0x1C000] =	vst v63  }
0x71: {  	_ =	swait.ge [sflag:s25], $0x2000  }
0x72: {  	[sflag:s25] =	ssyncset.done $0x0  }
0x73: {  	[sflag:s25] =	ssyncadd.s32 $0xFFFFE000  }
0x74: {  	[spmem:s2] =	stream.indirect.scatter.add.f32 [tilespmem:s18], [sflag:$0x7], $0x40, s31, s14, $0xb8;
	[tilespmem:$0x1C000] =	vst v63  }
0x75: {  	_ =	swait.ge [sflag:s28], $0x2000  }
0x76: {  	[sflag:s28] =	ssyncset.done $0x0  }
0x77: {  	[sflag:s28] =	ssyncadd.s32 $0xFFFFE000  }
0x78: {  	[spmem:s2] =	stream.indirect.scatter.add.f32 [tilespmem:s21], [sflag:$0x8], $0x40, s0, s14, $0xb8;
	[tilespmem:$0x1C000] =	vst v63  }
0x79: {  	_ =	swait.ge [sflag:s24], $0x2000  }
0x7a: {  	[sflag:s24] =	ssyncset.done $0x0  }
0x7b: {  	[sflag:s24] =	ssyncadd.s32 $0xFFFFE000  }
0x7c: {  	_ =	swait.ge [sflag:s26], $0x2000  }
0x7d: {  	[sflag:s26] =	ssyncset.done $0x0  }
0x7e: {  	[sflag:s26] =	ssyncadd.s32 $0xFFFFE000  }
0x7f: {  	_ =	swait.ge [sflag:s29], $0x2000  }
0x80: {  	[sflag:s29] =	ssyncset.done $0x0  }
0x81: {  	[sflag:s29] =	ssyncadd.s32 $0xFFFFE000  }
0x82: {  	_ =	swait.ge [sflag:s30], $0x2000  }
0x83: {  	s1 =	sadd.s32 $0x1, s1;
	[sflag:s30] =	ssyncset.done $0x0  }
0x84: {  	p0 =	sne.s32 s1, s9;
	[sflag:s30] =	ssyncadd.s32 $0xFFFFE000  }
.Ltmp1:
0x85: {  	[bflag:$0x0] =	sbarrier.arrive $0xFFFF;
	(pc) =	sbr.rel @p0 .LBB2_1-.Ltmp1, $4  }
0x86: {  	[hbm:s8], [sflag:s12] =	dma.local [spmem:s13], $0x1400  }
0x87: {  	_ =	swait.ge [sflag:s10], $0x1400  }
0x88: {  	[sflag:s10] =	ssyncset.done $0x0  }
0x89: {  	[sflag:s10] =	ssyncadd.s32 $0xFFFFEC00  }
0x8a: {  	_ =	sfence.sel $0x180000  }
0x8b: {  	[bflag:$0x0] =	sbarrier.arrive $0xFFFF  }
0x8c: {  	_ =	strace $0x9000004A  }
0x8d: {  	s0 =	stileid.u32;
	[bflag:$0x2] =	sbarrier.arrive $0xFFFF  }
0x8e: {  	p0 =	sne.s32 s0, $0x0;
	s0 =	rddreg [dreg:$0x3]  }
0x8f: {  	s0 =	sadd.s32 @!p0 $0x100000, s0  }
0x90: {  	[sflag:s0] =	ssyncadd.tile.s32 @!p0 $0x1;
	_ =	shalt  }
.Lfunc_end2:
_tile_overlayer_lowered:
.L_overlay_start_2:
0x91: {  	(tag) =	ssettag $0x2  }
0x92: {  	s0 =	rddreg [dreg:$0x0];
	s2 =	stileid.u32  }
0x93: {  	s1 =	rddreg [dreg:$0x1];
	p0 =	sne.s32 s2, $0x0  }
0x94: {  	s3 =	rddreg [dreg:$0x2];
	[bflag:$0x3] =	sbarrier.arrive $0xFFFF;
	s2 =	simm.s32 @!p0 $0x1C09  }
0x95: {  	[timem:s3], [sflag:s2] =	dma.local @!p0 [hbm:s0], s1  }
0x96: {  	s0 =	simm.s32 @!p0 $0x9  }
0x97: {  	_ =	swait.ge @!p0 [sflag:s0], s1  }
0x98: {  	s1 =	ssub.s32 @!p0 $0x0, s1;
	[sflag:s0] =	ssyncset.done @!p0 $0x0  }
0x99: {  	[sflag:s0] =	ssyncadd.s32 @!p0 s1  }
0x9a: {  	[bflag:$0x3] =	sbarrier.arrive $0xFFFF  }
0x9b: {  	_ =	shalt  }

// kernel: kernel.7.cloned.1.call-start
scs
__scs_entry_jumppad:
0x0: {  	(pc) =	sbr.rel $0x88, $3  }
0x1: {  	(tag) =	ssettag $0x0;
	lr =	simm.s32 $0x1  }
0x2: {  	[smem:$0x3F99] =	sst lr;
	_ =	strace $0xD0000000  }
0x3: {  	_ = 	snop  }
0x4: {  	_ = 	snop  }
0x5: {  	_ = 	snop  }
0x6: {  	_ = 	snop  }
0x7: {  	_ = 	snop  }
__scs_overlays_trampoline_lowered:
0x8: {  	[smem:$0x3FA8] =	sst s0  }
0x9: {  	[smem:$0x3FA9] =	sst s1  }
0xa: {  	[smem:$0x3FAA] =	sst s2  }
0xb: {  	[smem:$0x3FAB] =	sst s3  }
0xc: {  	[smem:$0x3FAC] =	sst s4  }
0xd: {  	[smem:$0x3FAD] =	sst s5  }
0xe: {  	[smem:$0x3FAE] =	sst s6  }
0xf: {  	[smem:$0x3FAF] =	sst s7  }
0x10: {  	[smem:$0x3FB0] =	sst s8  }
0x11: {  	[smem:$0x3FB1] =	sst s9;
	s0 =	simm.s32 @!p0 $0x0  }
0x12: {  	s1 =	sld [smem:$0x3F97];
	s0 =	simm.s32 @p0 $0x1  }
0x13: {  	[smem:$0x3FB2] =	sst s0;
	s0 =	simm.s32 @!p1 $0x0  }
0x14: {  	s2 =	sld [smem:$0x3F96];
	s0 =	simm.s32 @p1 $0x1  }
0x15: {  	[smem:$0x3FB3] =	sst s0;
	s0 =	simm.s32 @!p2 $0x0  }
0x16: {  	s3 =	sld [smem:$0x3FDB];
	s0 =	simm.s32 @p2 $0x1  }
0x17: {  	s4 =	simm.s32 $0x1BF5;
	[smem:$0x3FB5] =	sst s0  }
0x18: {  	s0 =	sld [smem:$0x3F98];
	_ =	swait.ge [sflag:s4], $0x0  }
0x19: {  	s7 =	sld [smem:$0x3F99]  }
0x1a: {  	s8 =	sadd.s32 $0xFFFFE003, lr  }
0x1b: {  	s9 =	sadd.s32 $0xFFFFFEF7, lr;
	s5 =	simm.s32 $0xFFFFFFFF;
	p2 =	slt.u32 s8, $0xFFFFF086  }
0x1c: {  	p1 =	slt.u32 s9, $0xF7A;
	s5 =	simm.s32 @!p2 $0x0  }
0x1d: {  	s5 =	simm.s32 @p1 $0x1;
	p0 =	seq.s32 s7, s2  }
0x1e: {  	s7 =	smul.u32 @!p0 $0xF7A, s2;
	p2 =	seq.s32 @!p0 s5, $0x0  }
0x1f: {  	s9 =	smul.u32 $0xF7A, s1;
	s8 =	simm.s32 @!p0 $0x1BF5;
	p2 =	por !p2, p0  }
0x20: {  	[sflag:s8] =	ssyncset.s32 @!p0 $0xFFFFF086;
	s6 =	sadd.s32 @!p0 s3, s7;
	s7 =	simm.s32 @!p0 $0x108  }
0x21: {  	s3 =	sadd.s32 s3, s9;
	s6 =	sadd.s32 @!p0 $0x88, s6;
	s7 =	simm.s32 @p2 $0x1082  }
0x22: {  	[simem:s7], [sflag:s8] =	dma.local @!p0 [hbm:s6], $0xF7A  }
0x23: {  	s9 =	sor.u32 $0xD0000000, s2;
	s6 =	simm.s32 $0x108;
	_ =	swait.ge @!p0 [sflag:s8], $0x0  }
0x24: {  	s3 =	sadd.s32 $0x88, s3;
	s6 =	simm.s32 @!p1 $0x1082;
	[sflag:s4] =	ssyncset.s32 $0xFFFFF086  }
0x25: {  	[simem:s6], [sflag:s4] =	dma.local [hbm:s3], $0xF7A  }
0x26: {  	[smem:$0x3F99] =	sst s1;
	(tag) =	ssettag s2;
	_ =	strace s9  }
0x27: {  	s1 =	sld [smem:$0x3FA9]  }
0x28: {  	s2 =	sld [smem:$0x3FAA]  }
0x29: {  	s4 =	sld [smem:$0x3FAC]  }
0x2a: {  	p0 =	seq.s32 s5, $0x0;
	s5 =	sld [smem:$0x3FAD]  }
0x2b: {  	s6 =	sld [smem:$0x3FAE]  }
0x2c: {  	s7 =	sld [smem:$0x3FAF]  }
0x2d: {  	s3 =	simm.s32 $0x108;
	s8 =	sld [smem:$0x3FB0]  }
0x2e: {  	s3 =	simm.s32 @!p0 $0x1082;
	s9 =	sld [smem:$0x3FB1]  }
0x2f: {  	lr =	sadd.s32 s0, s3;
	s0 =	sld [smem:$0x3FA8]  }
0x30: {  	s3 =	sld [smem:$0x3FAB]  }
0x31: {  	[smem:$0x3FB4] =	sst s10  }
0x32: {  	s10 =	sld [smem:$0x3FB2];
	_ =	sdelay $0x3  }
0x33: {  	p0 =	seq.s32 s10, $0x1;
	s10 =	sld [smem:$0x3FB4];
	_ =	sdelay $0x3  }
0x34: {  	[smem:$0x3FB4] =	sst s10  }
0x35: {  	s10 =	sld [smem:$0x3FB3];
	_ =	sdelay $0x3  }
0x36: {  	p1 =	seq.s32 s10, $0x1;
	s10 =	sld [smem:$0x3FB4];
	_ =	sdelay $0x3  }
0x37: {  	[smem:$0x3FB4] =	sst s10  }
0x38: {  	s10 =	sld [smem:$0x3FB5]  }
0x39: {  	_ = 	snop;
	(pc) =	sbr.ind lr, $3  }
0x3a: {  	_ = 	snop  }
0x3b: {  	_ = 	snop  }
0x3c: {  	p2 =	seq.s32 s10, $0x1;
	s10 =	sld [smem:$0x3FB4]  }
0x3d: {  	_ =	shalt  }
0x3e: {  	_ =	shalt  }
0x3f: {  	_ =	shalt  }
0x40: {  	_ =	shalt  }
0x41: {  	_ =	shalt  }
0x42: {  	_ =	shalt  }
0x43: {  	_ =	shalt  }
0x44: {  	_ =	shalt  }
0x45: {  	_ =	shalt  }
0x46: {  	_ =	shalt  }
0x47: {  	_ =	shalt  }
0x48: {  	_ =	shalt  }
0x49: {  	_ =	shalt  }
0x4a: {  	_ =	shalt  }
0x4b: {  	_ =	shalt  }
0x4c: {  	_ =	shalt  }
0x4d: {  	_ =	shalt  }
0x4e: {  	_ =	shalt  }
0x4f: {  	_ =	shalt  }
0x50: {  	_ =	shalt  }
0x51: {  	_ =	shalt  }
0x52: {  	_ =	shalt  }
0x53: {  	_ =	shalt  }
0x54: {  	_ =	shalt  }
0x55: {  	_ =	shalt  }
0x56: {  	_ =	shalt  }
0x57: {  	_ =	shalt  }
0x58: {  	_ =	shalt  }
0x59: {  	_ =	shalt  }
0x5a: {  	_ =	shalt  }
0x5b: {  	_ =	shalt  }
0x5c: {  	_ =	shalt  }
0x5d: {  	_ =	shalt  }
0x5e: {  	_ =	shalt  }
0x5f: {  	_ =	shalt  }
0x60: {  	_ =	shalt  }
0x61: {  	_ =	shalt  }
0x62: {  	_ =	shalt  }
0x63: {  	_ =	shalt  }
0x64: {  	_ =	shalt  }
0x65: {  	_ =	shalt  }
0x66: {  	_ =	shalt  }
0x67: {  	_ =	shalt  }
0x68: {  	_ =	shalt  }
0x69: {  	_ =	shalt  }
0x6a: {  	_ =	shalt  }
0x6b: {  	_ =	shalt  }
0x6c: {  	_ =	shalt  }
0x6d: {  	_ =	shalt  }
0x6e: {  	_ =	shalt  }
0x6f: {  	_ =	shalt  }
0x70: {  	_ =	shalt  }
0x71: {  	_ =	shalt  }
0x72: {  	_ =	shalt  }
0x73: {  	_ =	shalt  }
0x74: {  	_ =	shalt  }
0x75: {  	_ =	shalt  }
0x76: {  	_ =	shalt  }
0x77: {  	_ =	shalt  }
0x78: {  	_ =	shalt  }
0x79: {  	_ =	shalt  }
0x7a: {  	_ =	shalt  }
0x7b: {  	_ =	shalt  }
0x7c: {  	_ =	shalt  }
0x7d: {  	_ =	shalt  }
0x7e: {  	_ =	shalt  }
0x7f: {  	_ =	shalt  }
0x80: {  	_ =	shalt  }
0x81: {  	_ =	shalt  }
0x82: {  	_ =	shalt  }
0x83: {  	_ =	shalt  }
0x84: {  	_ =	shalt  }
0x85: {  	_ =	shalt  }
0x86: {  	_ =	shalt  }
0x87: {  	_ =	shalt  }
.Lfunc_end0:
.L_simem_size_0:
called_computation_lowered:
.L_overlay_start_0:
0x88: {  	s2 =	sld [smem:$0x3FD9]  }
0x89: {  	s3 =	sld [smem:$0x3FFE];
	_ =	sdelay $0x1  }
0x8a: {  	s1 =	srdreg.scid  }
0x8b: {  	s0 =	sand.u32 $0x1, s1  }
0x8c: {  	s17 =	sshll.u32 s0, $0xA;
	s2 =	sadd.s32 s3, s2  }
0x8d: {  	s2 =	sadd.s32 s2, s17  }
0x8e: {  	[smem:$0x3FC0] =	sst s2  }
0x8f: {  	_ = 	snop  }
0x90: {  	s2 =	sld [smem:$0x3FD0];
	(tm) =	ssettm $0x1  }
0x91: {  	s18 =	sld [smem:$0x3FFB];
	_ =	sdelay $0x3  }
0x92: {  	_ =	strace s18  }
0x93: {  	s3 =	sld [smem:$0x3FFC];
	_ =	sdelay $0x3  }
0x94: {  	_ =	strace s3  }
0x95: {  	s3 =	sld [smem:$0x3FFD];
	_ =	sdelay $0x3  }
0x96: {  	_ =	strace s3  }
0x97: {  	_ =	strace $0x8FFFFFFF  }
0x98: {  	s19 =	sld [smem:$0x3FDB];
	_ =	sdelay $0x1  }
0x99: {  	s4 =	simm.s32 $_scs_section_size  }
0x9a: {  	s5 =	simm.s32 $_size__tile_overlayer_lowered;
	s6 =	simm.s32 $_tile_overlayer_lowered  }
0x9b: {  	s22 =	simm.s32 $0x1BFF;
	s21 =	sshll.u32 s6, $0x1;
	s3 =	sadd.s32 s4, s19  }
0x9c: {  	s7 =	simm.s32 $0x0;
	s20 =	sshll.u32 s5, $0x1;
	s5 =	sadd.s32 s21, s3  }
0x9d: {  	[timem:s7], [sflag:s22] =	dma.local [hbm:s5], s20  }
0x9e: {  	_ =	swait.ge [sflag:s22], s20  }
0x9f: {  	s4 =	ssub.s32 $0x0, s20;
	[sflag:s22] =	ssyncset.done $0x0  }
0xa0: {  	[sflag:s22] =	ssyncadd.s32 s4;
	_ =	sdelay $0x1  }
0xa1: {  	s23 =	simm.s32 $0x1B8B  }
0xa2: {  	_ =	swait.ge [sflag:s23], $0x1  }
0xa3: {  	[sflag:s23] =	ssyncset.done $0x0  }
0xa4: {  	s25 =	simm.s32 $0x1B8E;
	s24 =	sld [smem:$0x3FFE];
	[sflag:s23] =	ssyncadd.s32 $0xFFFFFFFF  }
0xa5: {  	s26 =	simm.s32 $execute0_lowered;
	[smem:$0x3FD2] =	sst s25  }
0xa6: {  	s5 =	sshll.u32 s26, $0x1;
	_ =	strace $0x80000046;
	[dreg:$0x1] =	wrdreg $0xFFFFFFFF  }
0xa7: {  	s28 =	simm.s32 $_size_execute0_lowered;
	s3 =	sadd.s32 s3, s5;
	[dreg:$0x0] =	wrdreg $0x0  }
0xa8: {  	s5 =	sshll.u32 s28, $0x1;
	[dreg:$0x2] =	wrdreg s3  }
0xa9: {  	[dreg:$0x3] =	wrdreg s5  }
0xaa: {  	[dreg:$0x4] =	wrdreg $0xC0  }
0xab: {  	_ =	task [dreg:s7], $0x5FFFF  }
0xac: {  	[dreg:$0x1] =	wrdreg $0xFFFFFFFF  }
0xad: {  	[dreg:$0x0] =	wrdreg $0x60  }
0xae: {  	[dreg:$0x2] =	wrdreg s24  }
0xaf: {  	[dreg:$0x3] =	wrdreg s2  }
0xb0: {  	[dreg:$0x4] =	wrdreg $0x120000  }
0xb1: {  	[dreg:$0x5] =	wrdreg $0x9  }
0xb2: {  	_ =	task.clear_ibuf [dreg:s7], $0x6FFFF;
	_ =	strace $0x90000046  }
0xb3: {  	s29 =	simm.s32 $0x9;
	_ =	strace $0x80000048  }
0xb4: {  	_ =	swait.ge [sflag:s29], $0x1  }
0xb5: {  	[sflag:s29] =	ssyncadd.s32 $0xFFFFFFFF  }
0xb6: {  	_ =	strace $0x90000048  }
0xb7: {  	_ =	sfence  }
0xb8: {  	s30 =	sld [smem:$0x0];
	_ =	sdelay $0x2  }
0xb9: {  	s31 =	sshll.u32 s1, $0xD;
	s1 =	sshrl.u32 s1, $0x2  }
0xba: {  	s3 =	sand.u32 $0x4000, s31;
	s1 =	sadd.s32 s1, s30  }
0xbb: {  	s0 =	sor.u32 s3, s0;
	s1 =	sshll.u32 s1, $0x11  }
0xbc: {  	s0 =	sor.u32 s1, s0  }
0xbd: {  	s0 =	sadd.s32 $0x8F2B, s0  }
0xbe: {  	[sflag:s0] =	ssyncadd.remote.s32 $0x1  }
0xbf: {  	_ =	sfence.sel $0xFFFF  }
0xc0: {  	[dreg:$0x0] =	wrdreg $0xFFFFFFFF;
	(pc) =	sbr.abs _section_cstart, $3  }
0xc1: {  	[dreg:$0x1] =	wrdreg $0xFFFFFFFF  }
0xc2: {  	_ =	task.clear_ibuf [dreg:s7], $0x2FFFF;
	_ =	strace $0x9FFFFFFF  }
0xc3: {  	(tm) =	ssettm $0x7FFFFFFF  }
tec
execute0_lowered:
.L_overlay_start_1:
0x0: {  	(tag) =	ssettag $0x1  }
0x1: {  	s0 =	rddreg [dreg:$0x0]  }
0x2: {  	s1 =	rddreg [dreg:$0x1]  }
0x3: {  	s2 =	rddreg [dreg:$0x2];
	s14 =	stileid.u32;
	s3 =	simm.s32 $0x0  }
0x4: {  	s4 =	srdreg.scid;
	s15 =	simm.s32 $0x80;
	s16 =	simm.s32 $0xA000  }
0x5: {  	s17 =	simm.s32 $0xC000;
	s19 =	simm.s32 $0xE000;
	s20 =	simm.s32 $0x1  }
0x6: {  	s21 =	simm.s32 $0x5;
	s22 =	simm.s32 $0x3;
	s5 =	smul.u32 $0xA00, s14  }
0x7: {  	s30 =	simm.s32 $0x10000;
	s29 =	simm.s32 $0x8;
	s7 =	smul.u32 $0xA000, s14  }
0x8: {  	s31 =	simm.s32 $0x0;
	s18 =	sand.u32 $0x1, s4;
	s10 =	smul.u32 $0x2800, s14  }
0x9: {  	[smem:$0x7FF] =	sst s3;
	s4 =	sadd.s32 $0x1C00, s0;
	s6 =	smul.u32 $0xA0000, s18  }
0xa: {  	s28 =	sshll.u32 s14, $0x6;
	_ =	strace $0x80000047;
	s23 =	smul.u32 $0x28000, s18  }
0xb: {  	s11 =	sshll.u32 s18, $0x4;
	s24 =	ssub.s32 $0x2, s18;
	p0 =	sne.s32 s18, $0x0  }
0xc: {  	p1 =	seq.s32 s18, $0x0;
	[dreg:$0x4] =	wrdreg s30;
	s8 =	sadd.s32 s5, s0  }
0xd: {  	s9 =	sshrl.u32 s7, $0x3;
	s11 =	sor.u32 s14, s11;
	s12 =	sshrl.u32 s24, $0x1  }
0xe: {  	s26 =	sadd.s32 s7, s2;
	s6 =	sadd.s32 s7, s6;
	s9 =	sadd.s32 s9, s0  }
0xf: {  	s5 =	sadd.s32 s10, s23;
	s11 =	smul.u32 $0xA00, s11;
	s10 =	ssub.s32 s24, s12  }
0x10: {  	s25 =	sadd.s32 $0x29C00, s8;
	s12 =	simm.s32 $0x5000;
	s14 =	sshrl.u32 s26, $0x3  }
0x11: {  	s23 =	simm.s32 $0x1;
	s24 =	simm.s32 $0x6;
	s26 =	simm.s32 $0x7  }
0x12: {  	s6 =	sshrl.u32 s6, $0x3;
	s5 =	sshrl.u32 s5, $0x3;
	[dreg:$0x6] =	wrdreg s25  }
0x13: {  	s7 =	sadd.s32 $0x33C00, s9;
	s10 =	smax.u32 s10, $0x1;
	s23 =	simm.s32 @!p1 $0x0  }
0x14: {  	s25 =	simm.s32 $0x4;
	s13 =	sadd.s32 s6, s0;
	s1 =	sadd.s32 s1, s11  }
0x15: {  	s0 =	sadd.s32 s5, s0;
	s11 =	simm.s32 $0x9;
	[dreg:$0x5] =	wrdreg s1  }
0x16: {  	v0 =	vimm.f32 $0.0e+00;
	s8 =	sadd.s32 $0x47C00, s0;
	s9 =	sadd.s32 $0x51C00, s13;
	s13 =	sor.u32 $0x1C09, s28  }
.LBB2_1:
0x17: {  	s0 =	rddreg [dreg:$0x5]  }
0x18: {  	[tilespmem:s3], [sflag:$0x9] =	stream.linear.gather [hbm4b:s0+s3], $0x5000, $0x38;
	[tilespmem:$0x1E800] =	vst v63  }
0x19: {  	_ =	swait.ge [sflag:s11], $0x5000  }
0x1a: {  	[sflag:s11] =	ssyncset.done $0x0  }
0x1b: {  	s30 =	rddreg [dreg:$0x6];
	[sflag:s11] =	ssyncadd.s32 $0xFFFFB000  }
0x1c: {  	[tilespmem:s12], [sflag:$0x9] =	stream.linear.gather [hbm4b:s30+s3], $0x5000, $0x38;
	[tilespmem:$0x1E800] =	vst v63  }
0x1d: {  	_ =	swait.ge [sflag:s11], $0x5000  }
0x1e: {  	[sflag:s11] =	ssyncset.done $0x0  }
0x1f: {  	[sflag:s11] =	ssyncadd.s32 $0xFFFFB000  }
0x20: {  	[spmem:s14], [sflag:s13] =	dma.local [hbm:s7], $0x1400  }
0x21: {  	_ =	swait.ge [sflag:s11], $0x1400  }
0x22: {  	[sflag:s11] =	ssyncset.done $0x0  }
0x23: {  	s1 =	simm.s32 $0x0;
	s0 =	simm.s32 $0x40;
	[sflag:s11] =	ssyncadd.s32 $0xFFFFEC00  }
.LBB2_2:
0x24: {  	p2 =	sne.s32 s0, $0x9FC0;
	[tilespmem:s1+$0x1C000] =	vst v0;
	s1 =	smov.u32 s0;
	s0 =	sadd.s32 $0x40, s0  }
.Ltmp0:
0x25: {  	(pc) =	sbr.rel @p2 .LBB2_2-.Ltmp0, $2  }
0x26: {  	_ =	sdelay $0x2  }
0x27: {  	s1 =	sshra.s32 s1, $0x2  }
0x28: {  	[tilespmem:s1+$0x1C000] =	vst v0  }
0x29: {  	[bflag:$0x0] =	sbarrier.arrive $0xFFFF  }
0x2a: {  	[tilespmem:s16], [sflag:$0x1] =	stream.indirect.gather [hbm4b:s4+s15], $0x40, s3, s15, $0xb8;
	[tilespmem:$0x1E800] =	vst v63  }
0x2b: {  	_ = 	snop  }
0x2c: {  	[tilespmem:s17], [sflag:$0x2] =	stream.indirect.gather [hbm4b:s4+s15], $0x40, s15, s15, $0xb8;
	[tilespmem:$0x1E800] =	vst v63  }
0x2d: {  	s0 =	simm.s32 $0x100  }
0x2e: {  	[tilespmem:s19], [sflag:$0x3] =	stream.indirect.gather [hbm4b:s4+s15], $0x40, s0, s15, $0xb8;
	[tilespmem:$0x1E800] =	vst v63  }
0x2f: {  	_ =	swait.ge [sflag:s20], $0x2000  }
0x30: {  	[sflag:s20] =	ssyncset.done $0x0  }
0x31: {  	[sflag:s20] =	ssyncadd.s32 $0xFFFFE000  }
0x32: {  	[spmem:s2] =	stream.indirect.scatter.add.f32 [tilespmem:s16], [sflag:$0x5], $0x40, s12, s15, $0xb8;
	[tilespmem:$0x1E800] =	vst v63  }
0x33: {  	s1 =	simm.s32 @p0 $0x180;
	s18 =	simm.s32 @p0 $0x10000;
	s0 =	simm.s32 @p0 $0x80  }
0x34: {  	[tilespmem:s18], [sflag:$0x4] =	stream.indirect.gather @p0 [hbm4b:s4+s0], $0x40, s1, s0, $0xb8;
	[tilespmem:$0x1E800] =	vst v63  }
0x35: {  	s1 =	simm.s32 @p0 $0x2  }
0x36: {  	_ =	swait.ge @p0 [sflag:s1], $0x2000  }
0x37: {  	[sflag:s1] =	ssyncset.done @p0 $0x0  }
0x38: {  	s18 =	simm.s32 @p0 $0xC000;
	[sflag:s1] =	ssyncadd.s32 @p0 $0xFFFFE000;
	s1 =	simm.s32 @p0 $0x5080  }
0x39: {  	[spmem:s2] =	stream.indirect.scatter.add.f32 @p0 [tilespmem:s18], [sflag:$0x6], $0x40, s1, s0, $0xb8;
	[tilespmem:$0x1E800] =	vst v63  }
0x3a: {  	v1 =	vld @!p0 [tilespmem:$0x5000];
	_ =	sdelay $0x6  }
0x3b: {  	v2 =	vimm.f32 @!p0 $1.000000000e+00;
	s0 =	simm.s32 @!p0 $0x1C000  }
0x3c: {  	[tilespmem:v1+s0+$0x0] =	vst.idx.add.f32.msk @!p0 $0xffff, v2  }
0x3d: {  	v1 =	vld @!p0 [tilespmem:$0x5010];
	_ =	sdelay $0x7  }
0x3e: {  	[tilespmem:v1+s0+$0x0] =	vst.idx.add.f32.msk @!p0 $0xffff, v2  }
0x3f: {  	v1 =	vld @!p0 [tilespmem:$0x5020];
	_ =	sdelay $0x7  }
0x40: {  	[tilespmem:v1+s0+$0x0] =	vst.idx.add.f32.msk @!p0 $0xffff, v2  }
0x41: {  	v1 =	vld @!p0 [tilespmem:$0x5030];
	_ =	sdelay $0x7  }
0x42: {  	[tilespmem:v1+s0+$0x0] =	vst.idx.add.f32.msk @!p0 $0xffff, v2  }
0x43: {  	v1 =	vld @!p0 [tilespmem:$0x5040];
	_ =	sdelay $0x7  }
0x44: {  	[tilespmem:v1+s0+$0x0] =	vst.idx.add.f32.msk @!p0 $0xffff, v2  }
0x45: {  	v1 =	vld @!p0 [tilespmem:$0x5050];
	_ =	sdelay $0x7  }
0x46: {  	[tilespmem:v1+s0+$0x0] =	vst.idx.add.f32.msk @!p0 $0xffff, v2  }
0x47: {  	v1 =	vld @!p0 [tilespmem:$0x5060];
	_ =	sdelay $0x7  }
0x48: {  	[tilespmem:v1+s0+$0x0] =	vst.idx.add.f32.msk @!p0 $0xffff, v2  }
0x49: {  	v1 =	vld @!p0 [tilespmem:$0x5070];
	_ =	sdelay $0x7  }
0x4a: {  	s28 =	simm.s32 @!p0 $0x10000;
	s1 =	simm.s32 @!p0 $0x80;
	s18 =	simm.s32 @!p0 $0x180;
	[tilespmem:v1+s0+$0x0] =	vst.idx.add.f32.msk @!p0 $0xffff, v2  }
0x4b: {  	[tilespmem:s28], [sflag:$0x4] =	stream.indirect.gather @!p0 [hbm4b:s4+s1], $0x40, s18, s1, $0xb8;
	[tilespmem:$0x1E800] =	vst v63  }
0x4c: {  	s18 =	simm.s32 @!p0 $0x2  }
0x4d: {  	_ =	swait.ge @!p0 [sflag:s18], $0x2000  }
0x4e: {  	[sflag:s18] =	ssyncset.done @!p0 $0x0  }
0x4f: {  	s28 =	simm.s32 @!p0 $0xC000;
	[sflag:s18] =	ssyncadd.s32 @!p0 $0xFFFFE000;
	s18 =	simm.s32 @!p0 $0x5080  }
0x50: {  	[spmem:s2] =	stream.indirect.scatter.add.f32 @!p0 [tilespmem:s28], [sflag:$0x6], $0x40, s18, s1, $0xb8;
	[tilespmem:$0x1E800] =	vst v63  }
0x51: {  	v1 =	vld @!p0 [tilespmem:$0x5080];
	_ =	sdelay $0x7  }
0x52: {  	[tilespmem:v1+s0+$0x0] =	vst.idx.add.f32.msk @!p0 $0xffff, v2  }
0x53: {  	v1 =	vld @!p0 [tilespmem:$0x5090];
	_ =	sdelay $0x7  }
0x54: {  	[tilespmem:v1+s0+$0x0] =	vst.idx.add.f32.msk @!p0 $0xffff, v2  }
0x55: {  	v1 =	vld @!p0 [tilespmem:$0x50A0];
	_ =	sdelay $0x7  }
0x56: {  	[tilespmem:v1+s0+$0x0] =	vst.idx.add.f32.msk @!p0 $0xffff, v2  }
0x57: {  	v1 =	vld @!p0 [tilespmem:$0x50B0];
	_ =	sdelay $0x7  }
0x58: {  	[tilespmem:v1+s0+$0x0] =	vst.idx.add.f32.msk @!p0 $0xffff, v2  }
0x59: {  	v1 =	vld @!p0 [tilespmem:$0x50C0];
	_ =	sdelay $0x7  }
0x5a: {  	[tilespmem:v1+s0+$0x0] =	vst.idx.add.f32.msk @!p0 $0xffff, v2  }
0x5b: {  	v1 =	vld @!p0 [tilespmem:$0x50D0];
	_ =	sdelay $0x7  }
0x5c: {  	[tilespmem:v1+s0+$0x0] =	vst.idx.add.f32.msk @!p0 $0xffff, v2  }
0x5d: {  	v1 =	vld @!p0 [tilespmem:$0x50E0];
	_ =	sdelay $0x7  }
0x5e: {  	[tilespmem:v1+s0+$0x0] =	vst.idx.add.f32.msk @!p0 $0xffff, v2  }
0x5f: {  	v1 =	vld @!p0 [tilespmem:$0x50F0];
	_ =	sdelay $0x7  }
0x60: {  	s1 =	simm.s32 $0x0;
	[tilespmem:v1+s0+$0x0] =	vst.idx.add.f32.msk @!p0 $0xffff, v2;
	s0 =	simm.s32 $0x0  }
.LBB2_4:
0x61: {  	_ =	swait.ge [sflag:s21], $0x2000  }
0x62: {  	s18 =	sshra.s32 s0, $0x2;
	[sflag:s21] =	ssyncset.done $0x0  }
0x63: {  	s28 =	sadd.s32 $0x200, s18;
	[sflag:s21] =	ssyncadd.s32 $0xFFFFE000  }
0x64: {  	[tilespmem:s16], [sflag:$0x1] =	stream.indirect.gather [hbm4b:s4+s15], $0x40, s28, s15, $0xb8;
	[tilespmem:$0x1E800] =	vst v63  }
0x65: {  	p2 =	sgt.u32 s1, $0x13;
	s28 =	simm.s32 $0x1;
	_ =	swait.ge [sflag:s22], $0x2000  }
0x66: {  	s28 =	simm.s32 @!p2 $0x0;
	[sflag:s22] =	ssyncset.done $0x0  }
0x67: {  	s30 =	sadd.s32 $0x5100, s18;
	p3 =	seq.s32 s23, s28;
	[sflag:s22] =	ssyncadd.s32 $0xFFFFE000  }
0x68: {  	[spmem:s2] =	stream.indirect.scatter.add.f32 [tilespmem:s19], [sflag:$0x7], $0x40, s30, s15, $0xb8;
	[tilespmem:$0x1E800] =	vst v63  }
0x69: {  	v1 =	vld @!p3 [tilespmem:s18+$0x5100];
	_ =	sdelay $0x6  }
0x6a: {  	v2 =	vimm.f32 @!p3 $1.000000000e+00;
	s28 =	simm.s32 @!p3 $0x1C000  }
0x6b: {  	s30 =	sshra.s32 @!p3 s0, $0x2;
	[tilespmem:v1+s28+$0x0] =	vst.idx.add.f32.msk @!p3 $0xffff, v2  }
0x6c: {  	v1 =	vld @!p3 [tilespmem:s30+$0x5110];
	_ =	sdelay $0x7  }
0x6d: {  	[tilespmem:v1+s28+$0x0] =	vst.idx.add.f32.msk @!p3 $0xffff, v2  }
0x6e: {  	v1 =	vld @!p3 [tilespmem:s30+$0x5120];
	_ =	sdelay $0x7  }
0x6f: {  	[tilespmem:v1+s28+$0x0] =	vst.idx.add.f32.msk @!p3 $0xffff, v2  }
0x70: {  	v1 =	vld @!p3 [tilespmem:s30+$0x5130];
	_ =	sdelay $0x7  }
0x71: {  	[tilespmem:v1+s28+$0x0] =	vst.idx.add.f32.msk @!p3 $0xffff, v2  }
0x72: {  	v1 =	vld @!p3 [tilespmem:s30+$0x5140];
	_ =	sdelay $0x7  }
0x73: {  	[tilespmem:v1+s28+$0x0] =	vst.idx.add.f32.msk @!p3 $0xffff, v2  }
0x74: {  	v1 =	vld @!p3 [tilespmem:s30+$0x5150];
	_ =	sdelay $0x7  }
0x75: {  	[tilespmem:v1+s28+$0x0] =	vst.idx.add.f32.msk @!p3 $0xffff, v2  }
0x76: {  	v1 =	vld @!p3 [tilespmem:s30+$0x5160];
	_ =	sdelay $0x7  }
0x77: {  	[tilespmem:v1+s28+$0x0] =	vst.idx.add.f32.msk @!p3 $0xffff, v2  }
0x78: {  	v1 =	vld @!p3 [tilespmem:s30+$0x5170];
	_ =	sdelay $0x7  }
0x79: {  	[tilespmem:v1+s28+$0x0] =	vst.idx.add.f32.msk @!p3 $0xffff, v2  }
0x7a: {  	_ =	swait.ge [sflag:s24], $0x2000  }
0x7b: {  	[sflag:s24] =	ssyncset.done $0x0  }
0x7c: {  	s5 =	sadd.s32 $0x280, s18;
	[sflag:s24] =	ssyncadd.s32 $0xFFFFE000  }
0x7d: {  	[tilespmem:s17], [sflag:$0x2] =	stream.indirect.gather [hbm4b:s4+s15], $0x40, s5, s15, $0xb8;
	[tilespmem:$0x1E800] =	vst v63  }
0x7e: {  	p3 =	por !p2, !p2;
	_ =	swait.ge [sflag:s25], $0x2000  }
0x7f: {  	p3 =	por @!p1 p2, p2;
	[sflag:s25] =	ssyncset.done $0x0  }
0x80: {  	s5 =	sadd.s32 $0x5180, s18;
	s6 =	rddreg [dreg:$0x4];
	[sflag:s25] =	ssyncadd.s32 $0xFFFFE000  }
0x81: {  	[spmem:s2] =	stream.indirect.scatter.add.f32 [tilespmem:s6], [sflag:$0x8], $0x40, s5, s15, $0xb8;
	[tilespmem:$0x1E800] =	vst v63  }
0x82: {  	v1 =	vld @p3 [tilespmem:s18+$0x5180];
	_ =	sdelay $0x6  }
0x83: {  	v2 =	vimm.f32 @p3 $1.000000000e+00;
	s28 =	simm.s32 @p3 $0x1C000  }
0x84: {  	s30 =	sshra.s32 @p3 s0, $0x2;
	[tilespmem:v1+s28+$0x0] =	vst.idx.add.f32.msk @p3 $0xffff, v2  }
0x85: {  	v1 =	vld @p3 [tilespmem:s30+$0x5190];
	_ =	sdelay $0x7  }
0x86: {  	[tilespmem:v1+s28+$0x0] =	vst.idx.add.f32.msk @p3 $0xffff, v2  }
0x87: {  	v1 =	vld @p3 [tilespmem:s30+$0x51A0];
	_ =	sdelay $0x7  }
0x88: {  	[tilespmem:v1+s28+$0x0] =	vst.idx.add.f32.msk @p3 $0xffff, v2  }
0x89: {  	v1 =	vld @p3 [tilespmem:s30+$0x51B0];
	_ =	sdelay $0x7  }
0x8a: {  	[tilespmem:v1+s28+$0x0] =	vst.idx.add.f32.msk @p3 $0xffff, v2  }
0x8b: {  	v1 =	vld @p3 [tilespmem:s30+$0x51C0];
	_ =	sdelay $0x7  }
0x8c: {  	[tilespmem:v1+s28+$0x0] =	vst.idx.add.f32.msk @p3 $0xffff, v2  }
0x8d: {  	v1 =	vld @p3 [tilespmem:s30+$0x51D0];
	_ =	sdelay $0x7  }
0x8e: {  	[tilespmem:v1+s28+$0x0] =	vst.idx.add.f32.msk @p3 $0xffff, v2  }
0x8f: {  	v1 =	vld @p3 [tilespmem:s30+$0x51E0];
	_ =	sdelay $0x7  }
0x90: {  	[tilespmem:v1+s28+$0x0] =	vst.idx.add.f32.msk @p3 $0xffff, v2  }
0x91: {  	v1 =	vld @p3 [tilespmem:s30+$0x51F0];
	_ =	sdelay $0x7  }
0x92: {  	[tilespmem:v1+s28+$0x0] =	vst.idx.add.f32.msk @p3 $0xffff, v2  }
0x93: {  	_ =	swait.ge [sflag:s26], $0x2000  }
0x94: {  	p2 =	sgt.u32 s1, $0x12;
	[sflag:s26] =	ssyncset.done $0x0  }
0x95: {  	s6 =	sadd.s32 $0x300, s18;
	s28 =	simm.s32 $0x1;
	[sflag:s26] =	ssyncadd.s32 $0xFFFFE000  }
0x96: {  	[tilespmem:s19], [sflag:$0x3] =	stream.indirect.gather [hbm4b:s4+s15], $0x40, s6, s15, $0xb8;
	[tilespmem:$0x1E800] =	vst v63  }
0x97: {  	s28 =	simm.s32 @!p2 $0x0;
	_ =	swait.ge [sflag:s20], $0x2000  }
0x98: {  	p2 =	seq.s32 s23, s28;
	[sflag:s20] =	ssyncset.done $0x0  }
0x99: {  	s30 =	sadd.s32 $0x5200, s18;
	s28 =	simm.s32 @p2 $0x8;
	[sflag:s20] =	ssyncadd.s32 $0xFFFFE000  }
0x9a: {  	[spmem:s2] =	stream.indirect.scatter.add.f32 [tilespmem:s16], [sflag:$0x5], $0x40, s30, s15, $0xb8;
	[tilespmem:$0x1E800] =	vst v63  }
0x9b: {  	_ =	swait.ge @p2 [sflag:s28], $0x2000  }
0x9c: {  	[sflag:s28] =	ssyncset.done @p2 $0x0  }
0x9d: {  	[sflag:s28] =	ssyncadd.s32 @p2 $0xFFFFE000;
	s28 =	sshra.s32 @p2 s0, $0x2  }
0x9e: {  	s5 =	simm.s32 @p2 $0x80;
	s6 =	simm.s32 @p2 $0x10000;
	s30 =	sadd.s32 @p2 $0x380, s28  }
0x9f: {  	[tilespmem:s6], [sflag:$0x4] =	stream.indirect.gather @p2 [hbm4b:s4+s5], $0x40, s30, s5, $0xb8;
	[tilespmem:$0x1E800] =	vst v63  }
0xa0: {  	s6 =	simm.s32 @p2 $0x2  }
0xa1: {  	_ =	swait.ge @p2 [sflag:s6], $0x2000  }
0xa2: {  	[sflag:s6] =	ssyncset.done @p2 $0x0  }
0xa3: {  	[sflag:s6] =	ssyncadd.s32 @p2 $0xFFFFE000;
	s6 =	sadd.s32 @p2 $0x5280, s28;
	s28 =	simm.s32 @p2 $0xC000  }
0xa4: {  	[spmem:s2] =	stream.indirect.scatter.add.f32 @p2 [tilespmem:s28], [sflag:$0x6], $0x40, s6, s5, $0xb8;
	[tilespmem:$0x1E800] =	vst v63  }
0xa5: {  	v1 =	vld @!p2 [tilespmem:s18+$0x5200];
	_ =	sdelay $0x6  }
0xa6: {  	v2 =	vimm.f32 @!p2 $1.000000000e+00;
	s5 =	simm.s32 @!p2 $0x1C000  }
0xa7: {  	s6 =	sshra.s32 @!p2 s0, $0x2;
	[tilespmem:v1+s5+$0x0] =	vst.idx.add.f32.msk @!p2 $0xffff, v2  }
0xa8: {  	v1 =	vld @!p2 [tilespmem:s6+$0x5210];
	_ =	sdelay $0x7  }
0xa9: {  	[tilespmem:v1+s5+$0x0] =	vst.idx.add.f32.msk @!p2 $0xffff, v2  }
0xaa: {  	v1 =	vld @!p2 [tilespmem:s6+$0x5220];
	_ =	sdelay $0x7  }
0xab: {  	[tilespmem:v1+s5+$0x0] =	vst.idx.add.f32.msk @!p2 $0xffff, v2  }
0xac: {  	v1 =	vld @!p2 [tilespmem:s6+$0x5230];
	_ =	sdelay $0x7  }
0xad: {  	[tilespmem:v1+s5+$0x0] =	vst.idx.add.f32.msk @!p2 $0xffff, v2  }
0xae: {  	v1 =	vld @!p2 [tilespmem:s6+$0x5240];
	_ =	sdelay $0x7  }
0xaf: {  	[tilespmem:v1+s5+$0x0] =	vst.idx.add.f32.msk @!p2 $0xffff, v2  }
0xb0: {  	v1 =	vld @!p2 [tilespmem:s6+$0x5250];
	_ =	sdelay $0x7  }
0xb1: {  	[tilespmem:v1+s5+$0x0] =	vst.idx.add.f32.msk @!p2 $0xffff, v2  }
0xb2: {  	v1 =	vld @!p2 [tilespmem:s6+$0x5260];
	_ =	sdelay $0x7  }
0xb3: {  	[tilespmem:v1+s5+$0x0] =	vst.idx.add.f32.msk @!p2 $0xffff, v2  }
0xb4: {  	v1 =	vld @!p2 [tilespmem:s6+$0x5270];
	_ =	sdelay $0x7  }
0xb5: {  	s18 =	simm.s32 @!p2 $0x8;
	[tilespmem:v1+s5+$0x0] =	vst.idx.add.f32.msk @!p2 $0xffff, v2  }
0xb6: {  	_ =	swait.ge @!p2 [sflag:s18], $0x2000  }
0xb7: {  	s30 =	simm.s32 @!p2 $0x10000;
	[sflag:s18] =	ssyncset.done @!p2 $0x0  }
0xb8: {  	s28 =	simm.s32 @!p2 $0x80;
	[sflag:s18] =	ssyncadd.s32 @!p2 $0xFFFFE000;
	s18 =	sadd.s32 @!p2 $0x380, s6  }
0xb9: {  	[tilespmem:s30], [sflag:$0x4] =	stream.indirect.gather @!p2 [hbm4b:s4+s28], $0x40, s18, s28, $0xb8;
	[tilespmem:$0x1E800] =	vst v63  }
0xba: {  	s18 =	simm.s32 @!p2 $0x2  }
0xbb: {  	_ =	swait.ge @!p2 [sflag:s18], $0x2000  }
0xbc: {  	[sflag:s18] =	ssyncset.done @!p2 $0x0  }
0xbd: {  	s30 =	simm.s32 @!p2 $0xC000;
	[sflag:s18] =	ssyncadd.s32 @!p2 $0xFFFFE000;
	s18 =	sadd.s32 @!p2 $0x5280, s6  }
0xbe: {  	[spmem:s2] =	stream.indirect.scatter.add.f32 @!p2 [tilespmem:s30], [sflag:$0x6], $0x40, s18, s28, $0xb8;
	[tilespmem:$0x1E800] =	vst v63  }
0xbf: {  	v1 =	vld @!p2 [tilespmem:s6+$0x5280];
	_ =	sdelay $0x7  }
0xc0: {  	[tilespmem:v1+s5+$0x0] =	vst.idx.add.f32.msk @!p2 $0xffff, v2  }
0xc1: {  	v1 =	vld @!p2 [tilespmem:s6+$0x5290];
	_ =	sdelay $0x7  }
0xc2: {  	[tilespmem:v1+s5+$0x0] =	vst.idx.add.f32.msk @!p2 $0xffff, v2  }
0xc3: {  	v1 =	vld @!p2 [tilespmem:s6+$0x52A0];
	_ =	sdelay $0x7  }
0xc4: {  	[tilespmem:v1+s5+$0x0] =	vst.idx.add.f32.msk @!p2 $0xffff, v2  }
0xc5: {  	v1 =	vld @!p2 [tilespmem:s6+$0x52B0];
	_ =	sdelay $0x7  }
0xc6: {  	[tilespmem:v1+s5+$0x0] =	vst.idx.add.f32.msk @!p2 $0xffff, v2  }
0xc7: {  	v1 =	vld @!p2 [tilespmem:s6+$0x52C0];
	_ =	sdelay $0x7  }
0xc8: {  	[tilespmem:v1+s5+$0x0] =	vst.idx.add.f32.msk @!p2 $0xffff, v2  }
0xc9: {  	v1 =	vld @!p2 [tilespmem:s6+$0x52D0];
	_ =	sdelay $0x7  }
0xca: {  	[tilespmem:v1+s5+$0x0] =	vst.idx.add.f32.msk @!p2 $0xffff, v2  }
0xcb: {  	v1 =	vld @!p2 [tilespmem:s6+$0x52E0];
	_ =	sdelay $0x7  }
0xcc: {  	[tilespmem:v1+s5+$0x0] =	vst.idx.add.f32.msk @!p2 $0xffff, v2  }
0xcd: {  	v1 =	vld @!p2 [tilespmem:s6+$0x52F0];
	_ =	sdelay $0x1  }
0xce: {  	s0 =	sadd.s32 $0x800, s0  }
0xcf: {  	p3 =	sne.s32 s0, $0x13800  }
.Ltmp1:
0xd0: {  	_ = 	snop;
	(pc) =	sbr.rel @p3 .LBB2_4-.Ltmp1, $2  }
0xd1: {  	_ =	sdelay $0x2  }
0xd2: {  	s1 =	sadd.s32 $0x1, s1;
	[tilespmem:v1+s5+$0x0] =	vst.idx.add.f32.msk @!p2 $0xffff, v2  }
0xd3: {  	_ =	swait.ge [sflag:s22], $0x2000  }
0xd4: {  	[sflag:s22] =	ssyncset.done $0x0  }
0xd5: {  	s0 =	simm.s32 $0x9F00;
	[sflag:s22] =	ssyncadd.s32 $0xFFFFE000  }
0xd6: {  	[spmem:s2] =	stream.indirect.scatter.add.f32 [tilespmem:s19], [sflag:$0x7], $0x40, s0, s15, $0xb8;
	[tilespmem:$0x1E800] =	vst v63  }
0xd7: {  	s0 =	simm.s32 @p1 $0x4  }
0xd8: {  	_ =	swait.ge @p1 [sflag:s0], $0x2000  }
0xd9: {  	s1 =	simm.s32 @p1 $0x9F80;
	[sflag:s0] =	ssyncset.done @p1 $0x0  }
0xda: {  	s5 =	simm.s32 @p1 $0x10000;
	[sflag:s0] =	ssyncadd.s32 @p1 $0xFFFFE000;
	s0 =	simm.s32 @p1 $0x80  }
0xdb: {  	[spmem:s2] =	stream.indirect.scatter.add.f32 @p1 [tilespmem:s5], [sflag:$0x8], $0x40, s1, s0, $0xb8;
	[tilespmem:$0x1E800] =	vst v63  }
0xdc: {  	v1 =	vld @!p1 [tilespmem:$0x9F00];
	_ =	sdelay $0x6  }
0xdd: {  	v2 =	vimm.f32 @!p1 $1.000000000e+00;
	s0 =	simm.s32 @!p1 $0x1C000  }
0xde: {  	[tilespmem:v1+s0+$0x0] =	vst.idx.add.f32.msk @!p1 $0xffff, v2  }
0xdf: {  	v1 =	vld @!p1 [tilespmem:$0x9F10];
	_ =	sdelay $0x7  }
0xe0: {  	[tilespmem:v1+s0+$0x0] =	vst.idx.add.f32.msk @!p1 $0xffff, v2  }
0xe1: {  	v1 =	vld @!p1 [tilespmem:$0x9F20];
	_ =	sdelay $0x7  }
0xe2: {  	[tilespmem:v1+s0+$0x0] =	vst.idx.add.f32.msk @!p1 $0xffff, v2  }
0xe3: {  	v1 =	vld @!p1 [tilespmem:$0x9F30];
	_ =	sdelay $0x7  }
0xe4: {  	[tilespmem:v1+s0+$0x0] =	vst.idx.add.f32.msk @!p1 $0xffff, v2  }
0xe5: {  	v1 =	vld @!p1 [tilespmem:$0x9F40];
	_ =	sdelay $0x7  }
0xe6: {  	[tilespmem:v1+s0+$0x0] =	vst.idx.add.f32.msk @!p1 $0xffff, v2  }
0xe7: {  	v1 =	vld @!p1 [tilespmem:$0x9F50];
	_ =	sdelay $0x7  }
0xe8: {  	[tilespmem:v1+s0+$0x0] =	vst.idx.add.f32.msk @!p1 $0xffff, v2  }
0xe9: {  	v1 =	vld @!p1 [tilespmem:$0x9F60];
	_ =	sdelay $0x7  }
0xea: {  	[tilespmem:v1+s0+$0x0] =	vst.idx.add.f32.msk @!p1 $0xffff, v2  }
0xeb: {  	v1 =	vld @!p1 [tilespmem:$0x9F70];
	_ =	sdelay $0x7  }
0xec: {  	s1 =	simm.s32 @!p1 $0x4;
	[tilespmem:v1+s0+$0x0] =	vst.idx.add.f32.msk @!p1 $0xffff, v2  }
0xed: {  	_ =	swait.ge @!p1 [sflag:s1], $0x2000  }
0xee: {  	s6 =	simm.s32 @!p1 $0x10000;
	[sflag:s1] =	ssyncset.done @!p1 $0x0  }
0xef: {  	s5 =	simm.s32 @!p1 $0x9F80;
	[sflag:s1] =	ssyncadd.s32 @!p1 $0xFFFFE000;
	s1 =	simm.s32 @!p1 $0x80  }
0xf0: {  	[spmem:s2] =	stream.indirect.scatter.add.f32 @!p1 [tilespmem:s6], [sflag:$0x8], $0x40, s5, s1, $0xb8;
	[tilespmem:$0x1E800] =	vst v63  }
0xf1: {  	v1 =	vld @!p1 [tilespmem:$0x9F80];
	_ =	sdelay $0x7  }
0xf2: {  	[tilespmem:v1+s0+$0x0] =	vst.idx.add.f32.msk @!p1 $0xffff, v2  }
0xf3: {  	v1 =	vld @!p1 [tilespmem:$0x9F90];
	_ =	sdelay $0x7  }
0xf4: {  	[tilespmem:v1+s0+$0x0] =	vst.idx.add.f32.msk @!p1 $0xffff, v2  }
0xf5: {  	v1 =	vld @!p1 [tilespmem:$0x9FA0];
	_ =	sdelay $0x7  }
0xf6: {  	[tilespmem:v1+s0+$0x0] =	vst.idx.add.f32.msk @!p1 $0xffff, v2  }
0xf7: {  	v1 =	vld @!p1 [tilespmem:$0x9FB0];
	_ =	sdelay $0x7  }
0xf8: {  	[tilespmem:v1+s0+$0x0] =	vst.idx.add.f32.msk @!p1 $0xffff, v2  }
0xf9: {  	v1 =	vld @!p1 [tilespmem:$0x9FC0];
	_ =	sdelay $0x7  }
0xfa: {  	[tilespmem:v1+s0+$0x0] =	vst.idx.add.f32.msk @!p1 $0xffff, v2  }
0xfb: {  	v1 =	vld @!p1 [tilespmem:$0x9FD0];
	_ =	sdelay $0x7  }
0xfc: {  	[tilespmem:v1+s0+$0x0] =	vst.idx.add.f32.msk @!p1 $0xffff, v2  }
0xfd: {  	v1 =	vld @!p1 [tilespmem:$0x9FE0];
	_ =	sdelay $0x7  }
0xfe: {  	[tilespmem:v1+s0+$0x0] =	vst.idx.add.f32.msk @!p1 $0xffff, v2  }
0xff: {  	v1 =	vld @!p1 [tilespmem:$0x9FF0];
	_ =	sdelay $0x7  }
0x100: {  	[tilespmem:v1+s0+$0x0] =	vst.idx.add.f32.msk @!p1 $0xffff, v2  }
0x101: {  	_ =	swait.ge [sflag:s21], $0x2000  }
0x102: {  	[sflag:s21] =	ssyncset.done $0x0  }
0x103: {  	[sflag:s21] =	ssyncadd.s32 $0xFFFFE000  }
0x104: {  	_ =	swait.ge [sflag:s24], $0x2000  }
0x105: {  	[sflag:s24] =	ssyncset.done $0x0  }
0x106: {  	[sflag:s24] =	ssyncadd.s32 $0xFFFFE000  }
0x107: {  	_ =	swait.ge [sflag:s26], $0x2000  }
0x108: {  	[sflag:s26] =	ssyncset.done $0x0  }
0x109: {  	[sflag:s26] =	ssyncadd.s32 $0xFFFFE000  }
0x10a: {  	_ =	swait.ge [sflag:s29], $0x2000  }
0x10b: {  	[sflag:s29] =	ssyncset.done $0x0  }
0x10c: {  	s30 =	simm.s32 $0x1C000;
	[sflag:s29] =	ssyncadd.s32 $0xFFFFE000  }
0x10d: {  	[hbm4b:s8+s3] =	stream.linear.scatter [tilespmem:s30], [sflag:$0x9], $0x2800, $0x38;
	[tilespmem:$0x1E800] =	vst v63  }
0x10e: {  	_ =	swait.ge [sflag:s11], $0x2800  }
0x10f: {  	s31 =	sadd.s32 $0x1, s31;
	[sflag:s11] =	ssyncset.done $0x0  }
0x110: {  	p2 =	sne.s32 s31, s10;
	[sflag:s11] =	ssyncadd.s32 $0xFFFFD800  }
.Ltmp2:
0x111: {  	[bflag:$0x0] =	sbarrier.arrive $0xFFFF;
	(pc) =	sbr.rel @p2 .LBB2_1-.Ltmp2, $4  }
0x112: {  	[hbm:s9], [sflag:s13] =	dma.local [spmem:s14], $0x1400  }
0x113: {  	_ =	swait.ge [sflag:s11], $0x1400  }
0x114: {  	[sflag:s11] =	ssyncset.done $0x0  }
0x115: {  	[sflag:s11] =	ssyncadd.s32 $0xFFFFEC00  }
0x116: {  	_ =	sfence.sel $0x180000  }
0x117: {  	[bflag:$0x0] =	sbarrier.arrive $0xFFFF  }
0x118: {  	_ =	strace $0x90000047  }
0x119: {  	s0 =	stileid.u32;
	[bflag:$0x2] =	sbarrier.arrive $0xFFFF  }
0x11a: {  	p0 =	sne.s32 s0, $0x0;
	s0 =	rddreg [dreg:$0x3]  }
0x11b: {  	s0 =	sadd.s32 @!p0 $0x100000, s0  }
0x11c: {  	[sflag:s0] =	ssyncadd.tile.s32 @!p0 $0x1;
	_ =	shalt  }
.Lfunc_end2:
_tile_overlayer_lowered:
.L_overlay_start_2:
0x11d: {  	(tag) =	ssettag $0x2  }
0x11e: {  	s0 =	rddreg [dreg:$0x0];
	s2 =	stileid.u32  }
0x11f: {  	s1 =	rddreg [dreg:$0x1];
	p0 =	sne.s32 s2, $0x0  }
0x120: {  	s3 =	rddreg [dreg:$0x2];
	[bflag:$0x3] =	sbarrier.arrive $0xFFFF;
	s2 =	simm.s32 @!p0 $0x1C09  }
0x121: {  	[timem:s3], [sflag:s2] =	dma.local @!p0 [hbm:s0], s1  }
0x122: {  	s0 =	simm.s32 @!p0 $0x9  }
0x123: {  	_ =	swait.ge @!p0 [sflag:s0], s1  }
0x124: {  	s1 =	ssub.s32 @!p0 $0x0, s1;
	[sflag:s0] =	ssyncset.done @!p0 $0x0  }
0x125: {  	[sflag:s0] =	ssyncadd.s32 @!p0 s1  }
0x126: {  	[bflag:$0x3] =	sbarrier.arrive $0xFFFF  }
0x127: {  	_ =	shalt  }

</sc_bundles>
